<compile_context>
chip_gen: v7x
topology: tpu7x:2x2x1
jax: 0.10.2.dev20260603
libtpu: 0.0.44.dev20260713+nightly
codegen_flags: <defaults>
</compile_context>

<pallas_src>
import functools

import jax
import jax.numpy as jnp
from jax import lax
from jax.experimental import pallas as pl
from jax.experimental.pallas import tpu as pltpu
from jax.experimental.pallas import tpu_sc as plsc

NF = 32
BATCH = 16384
NUM_WORKERS = 32
B_PER_W = BATCH // NUM_WORKERS
CHUNK = 128
N_CHUNKS = B_PER_W // CHUNK


def _sc_gather(user_idx, item_idx, eug, eig, eum, eim):
    mesh = plsc.VectorSubcoreMesh(core_axis_name="c", subcore_axis_name="s")

    @functools.partial(
        pl.kernel,
        mesh=mesh,
        out_type=[
            jax.ShapeDtypeStruct((BATCH, NF), jnp.float32),
            jax.ShapeDtypeStruct((BATCH, NF), jnp.float32),
            jax.ShapeDtypeStruct((BATCH, 2 * NF), jnp.float32),
            jax.ShapeDtypeStruct((BATCH, 2 * NF), jnp.float32),
        ],
        scratch_types=[
            pltpu.VMEM((B_PER_W,), jnp.int32),
            pltpu.VMEM((B_PER_W,), jnp.int32),
            pltpu.VMEM((CHUNK, NF), jnp.float32),
            pltpu.VMEM((CHUNK, NF), jnp.float32),
            pltpu.VMEM((CHUNK, 2 * NF), jnp.float32),
            pltpu.VMEM((CHUNK, 2 * NF), jnp.float32),
            pltpu.SemaphoreType.DMA,
        ],
    )
    def k(uidx_hbm, iidx_hbm, eug_hbm, eig_hbm, eum_hbm, eim_hbm,
          oug_hbm, oig_hbm, oum_hbm, oim_hbm,
          uidx_v, iidx_v, ug_v, ig_v, um_v, im_v, sem):
        wid = lax.axis_index("s") * 2 + lax.axis_index("c")
        base = wid * B_PER_W
        pltpu.sync_copy(uidx_hbm.at[pl.ds(base, B_PER_W)], uidx_v)
        pltpu.sync_copy(iidx_hbm.at[pl.ds(base, B_PER_W)], iidx_v)

        @pl.loop(0, N_CHUNKS)
        def _(c):
            off = c * CHUNK

            @pl.loop(0, CHUNK // 16)
            def _(g):
                u16 = uidx_v[pl.ds(off + g * 16, 16)]
                i16 = iidx_v[pl.ds(off + g * 16, 16)]
                for k in range(16):
                    uj = u16[k]
                    ij = i16[k]
                    dst = pl.ds(g * 16 + k, 1)
                    pltpu.async_copy(eug_hbm.at[pl.ds(uj, 1)], ug_v.at[dst], sem)
                    pltpu.async_copy(eig_hbm.at[pl.ds(ij, 1)], ig_v.at[dst], sem)
                    pltpu.async_copy(eum_hbm.at[pl.ds(uj, 1)], um_v.at[dst], sem)
                    pltpu.async_copy(eim_hbm.at[pl.ds(ij, 1)], im_v.at[dst], sem)

            out_sl = pl.ds(base + off, CHUNK)
            pltpu.make_async_copy(oug_hbm.at[out_sl], ug_v, sem).wait()
            pltpu.make_async_copy(oig_hbm.at[out_sl], ig_v, sem).wait()
            pltpu.make_async_copy(oum_hbm.at[out_sl], um_v, sem).wait()
            pltpu.make_async_copy(oim_hbm.at[out_sl], im_v, sem).wait()
            pltpu.sync_copy(ug_v, oug_hbm.at[out_sl])
            pltpu.sync_copy(ig_v, oig_hbm.at[out_sl])
            pltpu.sync_copy(um_v, oum_hbm.at[out_sl])
            pltpu.sync_copy(im_v, oim_hbm.at[out_sl])

    return k(user_idx, item_idx, eug, eig, eum, eim)


BLK = 2048


def _tc_body(ug_ref, ig_ref, um_ref, im_ref, w1_ref, w2_ref, vec_ref, out_ref):
    w1 = w1_ref[...]
    h = (
        jnp.dot(um_ref[...], w1[:64], preferred_element_type=jnp.float32)
        + jnp.dot(im_ref[...], w1[64:], preferred_element_type=jnp.float32)
        + vec_ref[0, :64]
    )
    m = jnp.mean(h, axis=-1, keepdims=True)
    v = jnp.mean((h - m) * (h - m), axis=-1, keepdims=True)
    h = (h - m) * lax.rsqrt(v + 1e-5) * vec_ref[1, :64] + vec_ref[2, :64]
    h = jnp.maximum(h, 0.0)
    h2 = jnp.dot(h, w2_ref[...], preferred_element_type=jnp.float32) + vec_ref[3, :32]
    m = jnp.mean(h2, axis=-1, keepdims=True)
    v = jnp.mean((h2 - m) * (h2 - m), axis=-1, keepdims=True)
    h2 = (h2 - m) * lax.rsqrt(v + 1e-5) * vec_ref[4, :32] + vec_ref[5, :32]
    h2 = jnp.maximum(h2, 0.0)
    gmf = ug_ref[...] * ig_ref[...]
    logit = (
        jnp.sum(gmf * vec_ref[6, :32], axis=-1)
        + jnp.sum(h2 * vec_ref[7, :32], axis=-1)
        + vec_ref[8, 0:1]
    )
    out_ref[...] = logit


def _tc_mlp(ug, ig, um, im, w1, w2, vec):
    grid = (BATCH // BLK,)
    return pl.pallas_call(
        _tc_body,
        grid=grid,
        in_specs=[
            pl.BlockSpec((BLK, NF), lambda i: (i, 0)),
            pl.BlockSpec((BLK, NF), lambda i: (i, 0)),
            pl.BlockSpec((BLK, 2 * NF), lambda i: (i, 0)),
            pl.BlockSpec((BLK, 2 * NF), lambda i: (i, 0)),
            pl.BlockSpec((128, 64), lambda i: (0, 0)),
            pl.BlockSpec((64, 32), lambda i: (0, 0)),
            pl.BlockSpec((9, 64), lambda i: (0, 0)),
        ],
        out_specs=pl.BlockSpec((BLK,), lambda i: (i,)),
        out_shape=jax.ShapeDtypeStruct((BATCH,), jnp.float32),
    )(ug, ig, um, im, w1, w2, vec)


def kernel(user_idx, item_idx, embed_user_gmf, embed_item_gmf, embed_user_mlp,
           embed_item_mlp, W1, b1, g1, be1, W2, b2, g2, be2, Wo, bo):
    user_idx = user_idx.astype(jnp.int32)
    item_idx = item_idx.astype(jnp.int32)
    ug, ig, um, im = _sc_gather(
        user_idx, item_idx, embed_user_gmf, embed_item_gmf,
        embed_user_mlp, embed_item_mlp)
    z32 = jnp.zeros((32,), jnp.float32)
    wo = Wo[:, 0]
    vec = jnp.stack([
        b1, g1, be1,
        jnp.concatenate([b2, z32]),
        jnp.concatenate([g2, z32]),
        jnp.concatenate([be2, z32]),
        jnp.concatenate([wo[:32], z32]),
        jnp.concatenate([wo[32:], z32]),
        jnp.concatenate([bo, jnp.zeros((63,), jnp.float32)]),
    ])
    return _tc_mlp(ug, ig, um, im, W1, W2, vec)

# --- scband reference (transcript-rebuilt; emitter-appended) ---
"""Pipeline reference for scband-module-43645457662513 (READ-ONLY COPY).

The authoritative reference and input builder live on the scoring server;
editing this copy changes nothing except your own understanding.
"""

import jax, jax.numpy as jnp
import numpy as np

N_USERS = 1000000
N_ITEMS = 100000
NF = 32
BATCH = 16384


def layernorm(x, g, b, eps=1e-5):
    m = jnp.mean(x, axis=-1, keepdims=True)
    v = jnp.var(x, axis=-1, keepdims=True)
    return (x - m) / jnp.sqrt(v + eps) * g + b


def setup_inputs(seed: int = 0) -> dict:
    key = jax.random.key(seed)
    ks = jax.random.split(key, 12)
    s = 0.05
    inp = {}
    inp["user_idx"] = jax.random.randint(ks[0], (BATCH,), 0, N_USERS)
    inp["item_idx"] = jax.random.randint(ks[1], (BATCH,), 0, N_ITEMS)
    # embedding tables (last row = padding_idx, zeroed like nn.Embedding(padding_idx=...))
    inp["embed_user_gmf"] = (jax.random.normal(ks[2], (N_USERS + 1, NF), dtype=jnp.float32) * s).at[N_USERS].set(0.0)
    inp["embed_item_gmf"] = (jax.random.normal(ks[3], (N_ITEMS + 1, NF), dtype=jnp.float32) * s).at[N_ITEMS].set(0.0)
    inp["embed_user_mlp"] = (jax.random.normal(ks[4], (N_USERS + 1, 2 * NF), dtype=jnp.float32) * s).at[N_USERS].set(0.0)
    inp["embed_item_mlp"] = (jax.random.normal(ks[5], (N_ITEMS + 1, 2 * NF), dtype=jnp.float32) * s).at[N_ITEMS].set(0.0)
    # MLP: Linear(128,64) -> LN(64) -> ReLU -> Linear(64,32) -> LN(32) -> ReLU
    inp["W1"] = jax.random.normal(ks[6], (128, 64), dtype=jnp.float32) / np.sqrt(128.0)
    inp["b1"] = jnp.zeros((64,), dtype=jnp.float32)
    inp["g1"] = jnp.ones((64,), dtype=jnp.float32)
    inp["be1"] = jnp.zeros((64,), dtype=jnp.float32)
    inp["W2"] = jax.random.normal(ks[7], (64, 32), dtype=jnp.float32) / np.sqrt(64.0)
    inp["b2"] = jnp.zeros((32,), dtype=jnp.float32)
    inp["g2"] = jnp.ones((32,), dtype=jnp.float32)
    inp["be2"] = jnp.zeros((32,), dtype=jnp.float32)
    # logit layer: Linear(n_factors + hidden[-1] = 64, 1)
    inp["Wo"] = jax.random.normal(ks[8], (64, 1), dtype=jnp.float32) / np.sqrt(64.0)
    inp["bo"] = jnp.zeros((1,), dtype=jnp.float32)
    return inp


def reference(user_idx, item_idx, embed_user_gmf, embed_item_gmf, embed_user_mlp, embed_item_mlp,
              W1, b1, g1, be1, W2, b2, g2, be2, Wo, bo):
    # GMF branch
    gmf_out = jnp.take(embed_user_gmf, user_idx, axis=0) * jnp.take(embed_item_gmf, item_idx, axis=0)
    # MLP branch (dropout is identity in eval)
    h = jnp.concatenate([jnp.take(embed_user_mlp, user_idx, axis=0),
                         jnp.take(embed_item_mlp, item_idx, axis=0)], axis=-1)
    h = jax.nn.relu(layernorm(h @ W1 + b1, g1, be1))
    h = jax.nn.relu(layernorm(h @ W2 + b2, g2, be2))
    concat = jnp.concatenate([gmf_out, h], axis=-1)
    logit = (concat @ Wo + bo).squeeze(-1)
    return logit

if __name__ == "__main__":
    import jax
    _d = setup_inputs()
    print(jax.jit(kernel)(*tuple(_d.values())))

</pallas_src>

<mosaic_0001>
#map = affine_map<(d0, d1) -> (0)>
#map1 = affine_map<(d0, d1) -> (0, 0)>
module attributes {stable_mosaic.version = 14 : i64} {
  func.func @k(%arg0: i32, %arg1: i32, %arg2: memref<16384xi32, #tpu.memory_space<hbm>>, %arg3: memref<16384xi32, #tpu.memory_space<hbm>>, %arg4: memref<1000001x32xf32, #tpu.memory_space<hbm>>, %arg5: memref<100001x32xf32, #tpu.memory_space<hbm>>, %arg6: memref<1000001x64xf32, #tpu.memory_space<hbm>>, %arg7: memref<100001x64xf32, #tpu.memory_space<hbm>>, %arg8: memref<16384x32xf32, #tpu.memory_space<hbm>>, %arg9: memref<16384x32xf32, #tpu.memory_space<hbm>>, %arg10: memref<16384x64xf32, #tpu.memory_space<hbm>>, %arg11: memref<16384x64xf32, #tpu.memory_space<hbm>>, %arg12: memref<512xi32, #tpu.memory_space<vmem>>, %arg13: memref<512xi32, #tpu.memory_space<vmem>>, %arg14: memref<128x32xf32, #tpu.memory_space<vmem>>, %arg15: memref<128x32xf32, #tpu.memory_space<vmem>>, %arg16: memref<128x64xf32, #tpu.memory_space<vmem>>, %arg17: memref<128x64xf32, #tpu.memory_space<vmem>>, %arg18: memref<!tpu.dma_semaphore, #tpu.memory_space<semaphore_mem>>) attributes {dimension_semantics = [#tpu.dimension_semantics<core_parallel>, #tpu.dimension_semantics<subcore_parallel>], iteration_bounds = array<i64: 2, 16>, scalar_prefetch = 0 : i64, scratch_operands = 7 : i64, tpu.core_type = #tpu.core_type<sc_vector_subcore>, window_params = [{transform_indices = #map}, {transform_indices = #map}, {transform_indices = #map1}, {transform_indices = #map1}, {transform_indices = #map1}, {transform_indices = #map1}, {transform_indices = #map1}, {transform_indices = #map1}, {transform_indices = #map1}, {transform_indices = #map1}]} {
    %mul3A = arith.constant 2 : i32
    %mul3A_0 = arith.muli %arg1, %mul3A : i32
    %add3A = arith.addi %mul3A_0, %arg0 : i32
    %mul3A_1 = arith.constant 512 : i32
    %mul3A_2 = arith.muli %add3A, %mul3A_1 : i32
    "tpu.region"() ({
      %run_scoped3A = tpu.sem_alloc : memref<!tpu.dma_semaphore, #tpu.memory_space<semaphore_mem>>
      %dma_start3A = tpu.memref_slice %arg2[%mul3A_2] : memref<16384xi32, #tpu.memory_space<hbm>> -> memref<512xi32, #tpu.memory_space<hbm>>
      %dma_start3A_7 = tpu.memref_slice %arg2[%mul3A_2] : memref<16384xi32, #tpu.memory_space<hbm>> -> memref<512xi32, #tpu.memory_space<hbm>>
      tpu.enqueue_dma source(%dma_start3A_7 : memref<512xi32, #tpu.memory_space<hbm>>) target(%arg12 : memref<512xi32, #tpu.memory_space<vmem>>) target_semaphore(%run_scoped3A : memref<!tpu.dma_semaphore, #tpu.memory_space<semaphore_mem>>)
      %dma_wait3A = tpu.memref_slice %arg2[%mul3A_2] : memref<16384xi32, #tpu.memory_space<hbm>> -> memref<512xi32, #tpu.memory_space<hbm>>
      %dma_wait3A_8 = tpu.memref_slice %arg2[%mul3A_2] : memref<16384xi32, #tpu.memory_space<hbm>> -> memref<512xi32, #tpu.memory_space<hbm>>
      tpu.wait_dma2 semaphore(%run_scoped3A : memref<!tpu.dma_semaphore, #tpu.memory_space<semaphore_mem>>) src(%dma_wait3A_8 : memref<512xi32, #tpu.memory_space<hbm>>) dst(%arg12 : memref<512xi32, #tpu.memory_space<vmem>>)
      tpu.yield
    }) : () -> ()
    "tpu.region"() ({
      %run_scoped3A = tpu.sem_alloc : memref<!tpu.dma_semaphore, #tpu.memory_space<semaphore_mem>>
      %dma_start3A = tpu.memref_slice %arg3[%mul3A_2] : memref<16384xi32, #tpu.memory_space<hbm>> -> memref<512xi32, #tpu.memory_space<hbm>>
      %dma_start3A_7 = tpu.memref_slice %arg3[%mul3A_2] : memref<16384xi32, #tpu.memory_space<hbm>> -> memref<512xi32, #tpu.memory_space<hbm>>
      tpu.enqueue_dma source(%dma_start3A_7 : memref<512xi32, #tpu.memory_space<hbm>>) target(%arg13 : memref<512xi32, #tpu.memory_space<vmem>>) target_semaphore(%run_scoped3A : memref<!tpu.dma_semaphore, #tpu.memory_space<semaphore_mem>>)
      %dma_wait3A = tpu.memref_slice %arg3[%mul3A_2] : memref<16384xi32, #tpu.memory_space<hbm>> -> memref<512xi32, #tpu.memory_space<hbm>>
      %dma_wait3A_8 = tpu.memref_slice %arg3[%mul3A_2] : memref<16384xi32, #tpu.memory_space<hbm>> -> memref<512xi32, #tpu.memory_space<hbm>>
      tpu.wait_dma2 semaphore(%run_scoped3A : memref<!tpu.dma_semaphore, #tpu.memory_space<semaphore_mem>>) src(%dma_wait3A_8 : memref<512xi32, #tpu.memory_space<hbm>>) dst(%arg13 : memref<512xi32, #tpu.memory_space<vmem>>)
      tpu.yield
    }) : () -> ()
    %scan3A = arith.constant 0 : i32
    %scan3A_3 = arith.constant 4 : i32
    %scan3A_4 = arith.addi %scan3A, %scan3A_3 : i32
    %scan3A_5 = arith.constant 1 : i32
    scf.for %scan3A_7 = %scan3A to %scan3A_4 step %scan3A_5  : i32 {
      %mul3A_8 = arith.constant 1 : i32
      %mul3A_9 = arith.muli %scan3A_7, %mul3A_8 : i32
      %add3A_10 = arith.constant 0 : i32
      %add3A_11 = arith.addi %add3A_10, %mul3A_9 : i32
      %mul3A_12 = arith.constant 128 : i32
      %mul3A_13 = arith.muli %add3A_11, %mul3A_12 : i32
      %scan3A_14 = arith.constant 0 : i32
      %scan3A_15 = arith.constant 8 : i32
      %scan3A_16 = arith.addi %scan3A_14, %scan3A_15 : i32
      %scan3A_17 = arith.constant 1 : i32
      scf.for %scan3A_35 = %scan3A_14 to %scan3A_16 step %scan3A_17  : i32 {
        %mul3A_36 = arith.constant 1 : i32
        %mul3A_37 = arith.muli %scan3A_35, %mul3A_36 : i32
        %add3A_38 = arith.constant 0 : i32
        %add3A_39 = arith.addi %add3A_38, %mul3A_37 : i32
        %mul3A_40 = arith.constant 16 : i32
        %mul3A_41 = arith.muli %add3A_39, %mul3A_40 : i32
        %add3A_42 = arith.addi %mul3A_13, %mul3A_41 : i32
        %get3A = arith.index_cast %add3A_42 : i32 to index
        %get3A_43 = tpu.vector_load %arg12[%get3A] {strides = array<i32>} : memref<512xi32, #tpu.memory_space<vmem>>, vector<16xi32>,
        %get3A_44 = vector.shape_cast %get3A_43 : vector<16xi32> to vector<16xi32>
        %mul3A_45 = arith.constant 16 : i32
        %mul3A_46 = arith.muli %add3A_39, %mul3A_45 : i32
        %add3A_47 = arith.addi %mul3A_13, %mul3A_46 : i32
        %get3A_48 = arith.index_cast %add3A_47 : i32 to index
        %get3A_49 = tpu.vector_load %arg13[%get3A_48] {strides = array<i32>} : memref<512xi32, #tpu.memory_space<vmem>>, vector<16xi32>,
        %get3A_50 = vector.shape_cast %get3A_49 : vector<16xi32> to vector<16xi32>
        %slice3A = vector.extract_strided_slice %get3A_44 {offsets = [0], sizes = [1], strides = [1]} : vector<16xi32> to vector<1xi32>
        %squeeze3A = vector.extract %slice3A[0] : i32 from vector<1xi32>
        %slice3A_51 = vector.extract_strided_slice %get3A_50 {offsets = [0], sizes = [1], strides = [1]} : vector<16xi32> to vector<1xi32>
        %squeeze3A_52 = vector.extract %slice3A_51[0] : i32 from vector<1xi32>
        %mul3A_53 = arith.constant 16 : i32
        %mul3A_54 = arith.muli %add3A_39, %mul3A_53 : i32
        %add3A_55 = arith.constant 0 : i32
        %add3A_56 = arith.addi %mul3A_54, %add3A_55 : i32
        %dma_start3A = arith.constant 0 : i32
        %dma_start3A_57 = tpu.memref_slice %arg14[%add3A_56, %dma_start3A] : memref<128x32xf32, #tpu.memory_space<vmem>> -> memref<1x32xf32, #tpu.memory_space<vmem>>
        %dma_start3A_58 = arith.constant 0 : i32
        %dma_start3A_59 = tpu.memref_slice %arg4[%squeeze3A, %dma_start3A_58] : memref<1000001x32xf32, #tpu.memory_space<hbm>> -> memref<1x32xf32, #tpu.memory_space<hbm>>
        %dma_start3A_60 = arith.constant 0 : i32
        %dma_start3A_61 = tpu.memref_slice %arg14[%add3A_56, %dma_start3A_60] : memref<128x32xf32, #tpu.memory_space<vmem>> -> memref<1x32xf32, #tpu.memory_space<vmem>>
        %dma_start3A_62 = arith.constant 0 : i32
        %dma_start3A_63 = tpu.memref_slice %arg4[%squeeze3A, %dma_start3A_62] : memref<1000001x32xf32, #tpu.memory_space<hbm>> -> memref<1x32xf32, #tpu.memory_space<hbm>>
        tpu.enqueue_dma source(%dma_start3A_63 : memref<1x32xf32, #tpu.memory_space<hbm>>) target(%dma_start3A_61 : memref<1x32xf32, #tpu.memory_space<vmem>>) target_semaphore(%arg18 : memref<!tpu.dma_semaphore, #tpu.memory_space<semaphore_mem>>)
        %dma_start3A_64 = arith.constant 0 : i32
        %dma_start3A_65 = tpu.memref_slice %arg15[%add3A_56, %dma_start3A_64] : memref<128x32xf32, #tpu.memory_space<vmem>> -> memref<1x32xf32, #tpu.memory_space<vmem>>
        %dma_start3A_66 = arith.constant 0 : i32
        %dma_start3A_67 = tpu.memref_slice %arg5[%squeeze3A_52, %dma_start3A_66] : memref<100001x32xf32, #tpu.memory_space<hbm>> -> memref<1x32xf32, #tpu.memory_space<hbm>>
        %dma_start3A_68 = arith.constant 0 : i32
        %dma_start3A_69 = tpu.memref_slice %arg15[%add3A_56, %dma_start3A_68] : memref<128x32xf32, #tpu.memory_space<vmem>> -> memref<1x32xf32, #tpu.memory_space<vmem>>
        %dma_start3A_70 = arith.constant 0 : i32
        %dma_start3A_71 = tpu.memref_slice %arg5[%squeeze3A_52, %dma_start3A_70] : memref<100001x32xf32, #tpu.memory_space<hbm>> -> memref<1x32xf32, #tpu.memory_space<hbm>>
        tpu.enqueue_dma source(%dma_start3A_71 : memref<1x32xf32, #tpu.memory_space<hbm>>) target(%dma_start3A_69 : memref<1x32xf32, #tpu.memory_space<vmem>>) target_semaphore(%arg18 : memref<!tpu.dma_semaphore, #tpu.memory_space<semaphore_mem>>)
        %dma_start3A_72 = arith.constant 0 : i32
        %dma_start3A_73 = tpu.memref_slice %arg16[%add3A_56, %dma_start3A_72] : memref<128x64xf32, #tpu.memory_space<vmem>> -> memref<1x64xf32, #tpu.memory_space<vmem>>
        %dma_start3A_74 = arith.constant 0 : i32
        %dma_start3A_75 = tpu.memref_slice %arg6[%squeeze3A, %dma_start3A_74] : memref<1000001x64xf32, #tpu.memory_space<hbm>> -> memref<1x64xf32, #tpu.memory_space<hbm>>
        %dma_start3A_76 = arith.constant 0 : i32
        %dma_start3A_77 = tpu.memref_slice %arg16[%add3A_56, %dma_start3A_76] : memref<128x64xf32, #tpu.memory_space<vmem>> -> memref<1x64xf32, #tpu.memory_space<vmem>>
        %dma_start3A_78 = arith.constant 0 : i32
        %dma_start3A_79 = tpu.memref_slice %arg6[%squeeze3A, %dma_start3A_78] : memref<1000001x64xf32, #tpu.memory_space<hbm>> -> memref<1x64xf32, #tpu.memory_space<hbm>>
        tpu.enqueue_dma source(%dma_start3A_79 : memref<1x64xf32, #tpu.memory_space<hbm>>) target(%dma_start3A_77 : memref<1x64xf32, #tpu.memory_space<vmem>>) target_semaphore(%arg18 : memref<!tpu.dma_semaphore, #tpu.memory_space<semaphore_mem>>)
        %dma_start3A_80 = arith.constant 0 : i32
        %dma_start3A_81 = tpu.memref_slice %arg17[%add3A_56, %dma_start3A_80] : memref<128x64xf32, #tpu.memory_space<vmem>> -> memref<1x64xf32, #tpu.memory_space<vmem>>
        %dma_start3A_82 = arith.constant 0 : i32
        %dma_start3A_83 = tpu.memref_slice %arg7[%squeeze3A_52, %dma_start3A_82] : memref<100001x64xf32, #tpu.memory_space<hbm>> -> memref<1x64xf32, #tpu.memory_space<hbm>>
        %dma_start3A_84 = arith.constant 0 : i32
        %dma_start3A_85 = tpu.memref_slice %arg17[%add3A_56, %dma_start3A_84] : memref<128x64xf32, #tpu.memory_space<vmem>> -> memref<1x64xf32, #tpu.memory_space<vmem>>
        %dma_start3A_86 = arith.constant 0 : i32
        %dma_start3A_87 = tpu.memref_slice %arg7[%squeeze3A_52, %dma_start3A_86] : memref<100001x64xf32, #tpu.memory_space<hbm>> -> memref<1x64xf32, #tpu.memory_space<hbm>>
        tpu.enqueue_dma source(%dma_start3A_87 : memref<1x64xf32, #tpu.memory_space<hbm>>) target(%dma_start3A_85 : memref<1x64xf32, #tpu.memory_space<vmem>>) target_semaphore(%arg18 : memref<!tpu.dma_semaphore, #tpu.memory_space<semaphore_mem>>)
        %slice3A_88 = vector.extract_strided_slice %get3A_44 {offsets = [1], sizes = [1], strides = [1]} : vector<16xi32> to vector<1xi32>
        %squeeze3A_89 = vector.extract %slice3A_88[0] : i32 from vector<1xi32>
        %slice3A_90 = vector.extract_strided_slice %get3A_50 {offsets = [1], sizes = [1], strides = [1]} : vector<16xi32> to vector<1xi32>
        %squeeze3A_91 = vector.extract %slice3A_90[0] : i32 from vector<1xi32>
        %mul3A_92 = arith.constant 16 : i32
        %mul3A_93 = arith.muli %add3A_39, %mul3A_92 : i32
        %add3A_94 = arith.constant 1 : i32
        %add3A_95 = arith.addi %mul3A_93, %add3A_94 : i32
        %dma_start3A_96 = arith.constant 0 : i32
        %dma_start3A_97 = tpu.memref_slice %arg14[%add3A_95, %dma_start3A_96] : memref<128x32xf32, #tpu.memory_space<vmem>> -> memref<1x32xf32, #tpu.memory_space<vmem>>
        %dma_start3A_98 = arith.constant 0 : i32
        %dma_start3A_99 = tpu.memref_slice %arg4[%squeeze3A_89, %dma_start3A_98] : memref<1000001x32xf32, #tpu.memory_space<hbm>> -> memref<1x32xf32, #tpu.memory_space<hbm>>
        %dma_start3A_100 = arith.constant 0 : i32
        %dma_start3A_101 = tpu.memref_slice %arg14[%add3A_95, %dma_start3A_100] : memref<128x32xf32, #tpu.memory_space<vmem>> -> memref<1x32xf32, #tpu.memory_space<vmem>>
        %dma_start3A_102 = arith.constant 0 : i32
        %dma_start3A_103 = tpu.memref_slice %arg4[%squeeze3A_89, %dma_start3A_102] : memref<1000001x32xf32, #tpu.memory_space<hbm>> -> memref<1x32xf32, #tpu.memory_space<hbm>>
        tpu.enqueue_dma source(%dma_start3A_103 : memref<1x32xf32, #tpu.memory_space<hbm>>) target(%dma_start3A_101 : memref<1x32xf32, #tpu.memory_space<vmem>>) target_semaphore(%arg18 : memref<!tpu.dma_semaphore, #tpu.memory_space<semaphore_mem>>)
        %dma_start3A_104 = arith.constant 0 : i32
        %dma_start3A_105 = tpu.memref_slice %arg15[%add3A_95, %dma_start3A_104] : memref<128x32xf32, #tpu.memory_space<vmem>> -> memref<1x32xf32, #tpu.memory_space<vmem>>
        %dma_start3A_106 = arith.constant 0 : i32
        %dma_start3A_107 = tpu.memref_slice %arg5[%squeeze3A_91, %dma_start3A_106] : memref<100001x32xf32, #tpu.memory_space<hbm>> -> memref<1x32xf32, #tpu.memory_space<hbm>>
        %dma_start3A_108 = arith.constant 0 : i32
        %dma_start3A_109 = tpu.memref_slice %arg15[%add3A_95, %dma_start3A_108] : memref<128x32xf32, #tpu.memory_space<vmem>> -> memref<1x32xf32, #tpu.memory_space<vmem>>
        %dma_start3A_110 = arith.constant 0 : i32
        %dma_start3A_111 = tpu.memref_slice %arg5[%squeeze3A_91, %dma_start3A_110] : memref<100001x32xf32, #tpu.memory_space<hbm>> -> memref<1x32xf32, #tpu.memory_space<hbm>>
        tpu.enqueue_dma source(%dma_start3A_111 : memref<1x32xf32, #tpu.memory_space<hbm>>) target(%dma_start3A_109 : memref<1x32xf32, #tpu.memory_space<vmem>>) target_semaphore(%arg18 : memref<!tpu.dma_semaphore, #tpu.memory_space<semaphore_mem>>)
        %dma_start3A_112 = arith.constant 0 : i32
        %dma_start3A_113 = tpu.memref_slice %arg16[%add3A_95, %dma_start3A_112] : memref<128x64xf32, #tpu.memory_space<vmem>> -> memref<1x64xf32, #tpu.memory_space<vmem>>
        %dma_start3A_114 = arith.constant 0 : i32
        %dma_start3A_115 = tpu.memref_slice %arg6[%squeeze3A_89, %dma_start3A_114] : memref<1000001x64xf32, #tpu.memory_space<hbm>> -> memref<1x64xf32, #tpu.memory_space<hbm>>
        %dma_start3A_116 = arith.constant 0 : i32
        %dma_start3A_117 = tpu.memref_slice %arg16[%add3A_95, %dma_start3A_116] : memref<128x64xf32, #tpu.memory_space<vmem>> -> memref<1x64xf32, #tpu.memory_space<vmem>>
        %dma_start3A_118 = arith.constant 0 : i32
        %dma_start3A_119 = tpu.memref_slice %arg6[%squeeze3A_89, %dma_start3A_118] : memref<1000001x64xf32, #tpu.memory_space<hbm>> -> memref<1x64xf32, #tpu.memory_space<hbm>>
        tpu.enqueue_dma source(%dma_start3A_119 : memref<1x64xf32, #tpu.memory_space<hbm>>) target(%dma_start3A_117 : memref<1x64xf32, #tpu.memory_space<vmem>>) target_semaphore(%arg18 : memref<!tpu.dma_semaphore, #tpu.memory_space<semaphore_mem>>)
        %dma_start3A_120 = arith.constant 0 : i32
        %dma_start3A_121 = tpu.memref_slice %arg17[%add3A_95, %dma_start3A_120] : memref<128x64xf32, #tpu.memory_space<vmem>> -> memref<1x64xf32, #tpu.memory_space<vmem>>
        %dma_start3A_122 = arith.constant 0 : i32
        %dma_start3A_123 = tpu.memref_slice %arg7[%squeeze3A_91, %dma_start3A_122] : memref<100001x64xf32, #tpu.memory_space<hbm>> -> memref<1x64xf32, #tpu.memory_space<hbm>>
        %dma_start3A_124 = arith.constant 0 : i32
        %dma_start3A_125 = tpu.memref_slice %arg17[%add3A_95, %dma_start3A_124] : memref<128x64xf32, #tpu.memory_space<vmem>> -> memref<1x64xf32, #tpu.memory_space<vmem>>
        %dma_start3A_126 = arith.constant 0 : i32
        %dma_start3A_127 = tpu.memref_slice %arg7[%squeeze3A_91, %dma_start3A_126] : memref<100001x64xf32, #tpu.memory_space<hbm>> -> memref<1x64xf32, #tpu.memory_space<hbm>>
        tpu.enqueue_dma source(%dma_start3A_127 : memref<1x64xf32, #tpu.memory_space<hbm>>) target(%dma_start3A_125 : memref<1x64xf32, #tpu.memory_space<vmem>>) target_semaphore(%arg18 : memref<!tpu.dma_semaphore, #tpu.memory_space<semaphore_mem>>)
        %slice3A_128 = vector.extract_strided_slice %get3A_44 {offsets = [2], sizes = [1], strides = [1]} : vector<16xi32> to vector<1xi32>
        %squeeze3A_129 = vector.extract %slice3A_128[0] : i32 from vector<1xi32>
        %slice3A_130 = vector.extract_strided_slice %get3A_50 {offsets = [2], sizes = [1], strides = [1]} : vector<16xi32> to vector<1xi32>
        %squeeze3A_131 = vector.extract %slice3A_130[0] : i32 from vector<1xi32>
        %mul3A_132 = arith.constant 16 : i32
        %mul3A_133 = arith.muli %add3A_39, %mul3A_132 : i32
        %add3A_134 = arith.constant 2 : i32
        %add3A_135 = arith.addi %mul3A_133, %add3A_134 : i32
        %dma_start3A_136 = arith.constant 0 : i32
        %dma_start3A_137 = tpu.memref_slice %arg14[%add3A_135, %dma_start3A_136] : memref<128x32xf32, #tpu.memory_space<vmem>> -> memref<1x32xf32, #tpu.memory_space<vmem>>
        %dma_start3A_138 = arith.constant 0 : i32
        %dma_start3A_139 = tpu.memref_slice %arg4[%squeeze3A_129, %dma_start3A_138] : memref<1000001x32xf32, #tpu.memory_space<hbm>> -> memref<1x32xf32, #tpu.memory_space<hbm>>
        %dma_start3A_140 = arith.constant 0 : i32
        %dma_start3A_141 = tpu.memref_slice %arg14[%add3A_135, %dma_start3A_140] : memref<128x32xf32, #tpu.memory_space<vmem>> -> memref<1x32xf32, #tpu.memory_space<vmem>>
        %dma_start3A_142 = arith.constant 0 : i32
        %dma_start3A_143 = tpu.memref_slice %arg4[%squeeze3A_129, %dma_start3A_142] : memref<1000001x32xf32, #tpu.memory_space<hbm>> -> memref<1x32xf32, #tpu.memory_space<hbm>>
        tpu.enqueue_dma source(%dma_start3A_143 : memref<1x32xf32, #tpu.memory_space<hbm>>) target(%dma_start3A_141 : memref<1x32xf32, #tpu.memory_space<vmem>>) target_semaphore(%arg18 : memref<!tpu.dma_semaphore, #tpu.memory_space<semaphore_mem>>)
        %dma_start3A_144 = arith.constant 0 : i32
        %dma_start3A_145 = tpu.memref_slice %arg15[%add3A_135, %dma_start3A_144] : memref<128x32xf32, #tpu.memory_space<vmem>> -> memref<1x32xf32, #tpu.memory_space<vmem>>
        %dma_start3A_146 = arith.constant 0 : i32
        %dma_start3A_147 = tpu.memref_slice %arg5[%squeeze3A_131, %dma_start3A_146] : memref<100001x32xf32, #tpu.memory_space<hbm>> -> memref<1x32xf32, #tpu.memory_space<hbm>>
        %dma_start3A_148 = arith.constant 0 : i32
        %dma_start3A_149 = tpu.memref_slice %arg15[%add3A_135, %dma_start3A_148] : memref<128x32xf32, #tpu.memory_space<vmem>> -> memref<1x32xf32, #tpu.memory_space<vmem>>
        %dma_start3A_150 = arith.constant 0 : i32
        %dma_start3A_151 = tpu.memref_slice %arg5[%squeeze3A_131, %dma_start3A_150] : memref<100001x32xf32, #tpu.memory_space<hbm>> -> memref<1x32xf32, #tpu.memory_space<hbm>>
        tpu.enqueue_dma source(%dma_start3A_151 : memref<1x32xf32, #tpu.memory_space<hbm>>) target(%dma_start3A_149 : memref<1x32xf32, #tpu.memory_space<vmem>>) target_semaphore(%arg18 : memref<!tpu.dma_semaphore, #tpu.memory_space<semaphore_mem>>)
        %dma_start3A_152 = arith.constant 0 : i32
        %dma_start3A_153 = tpu.memref_slice %arg16[%add3A_135, %dma_start3A_152] : memref<128x64xf32, #tpu.memory_space<vmem>> -> memref<1x64xf32, #tpu.memory_space<vmem>>
        %dma_start3A_154 = arith.constant 0 : i32
        %dma_start3A_155 = tpu.memref_slice %arg6[%squeeze3A_129, %dma_start3A_154] : memref<1000001x64xf32, #tpu.memory_space<hbm>> -> memref<1x64xf32, #tpu.memory_space<hbm>>
        %dma_start3A_156 = arith.constant 0 : i32
        %dma_start3A_157 = tpu.memref_slice %arg16[%add3A_135, %dma_start3A_156] : memref<128x64xf32, #tpu.memory_space<vmem>> -> memref<1x64xf32, #tpu.memory_space<vmem>>
        %dma_start3A_158 = arith.constant 0 : i32
        %dma_start3A_159 = tpu.memref_slice %arg6[%squeeze3A_129, %dma_start3A_158] : memref<1000001x64xf32, #tpu.memory_space<hbm>> -> memref<1x64xf32, #tpu.memory_space<hbm>>
        tpu.enqueue_dma source(%dma_start3A_159 : memref<1x64xf32, #tpu.memory_space<hbm>>) target(%dma_start3A_157 : memref<1x64xf32, #tpu.memory_space<vmem>>) target_semaphore(%arg18 : memref<!tpu.dma_semaphore, #tpu.memory_space<semaphore_mem>>)
        %dma_start3A_160 = arith.constant 0 : i32
        %dma_start3A_161 = tpu.memref_slice %arg17[%add3A_135, %dma_start3A_160] : memref<128x64xf32, #tpu.memory_space<vmem>> -> memref<1x64xf32, #tpu.memory_space<vmem>>
        %dma_start3A_162 = arith.constant 0 : i32
        %dma_start3A_163 = tpu.memref_slice %arg7[%squeeze3A_131, %dma_start3A_162] : memref<100001x64xf32, #tpu.memory_space<hbm>> -> memref<1x64xf32, #tpu.memory_space<hbm>>
        %dma_start3A_164 = arith.constant 0 : i32
        %dma_start3A_165 = tpu.memref_slice %arg17[%add3A_135, %dma_start3A_164] : memref<128x64xf32, #tpu.memory_space<vmem>> -> memref<1x64xf32, #tpu.memory_space<vmem>>
        %dma_start3A_166 = arith.constant 0 : i32
        %dma_start3A_167 = tpu.memref_slice %arg7[%squeeze3A_131, %dma_start3A_166] : memref<100001x64xf32, #tpu.memory_space<hbm>> -> memref<1x64xf32, #tpu.memory_space<hbm>>
        tpu.enqueue_dma source(%dma_start3A_167 : memref<1x64xf32, #tpu.memory_space<hbm>>) target(%dma_start3A_165 : memref<1x64xf32, #tpu.memory_space<vmem>>) target_semaphore(%arg18 : memref<!tpu.dma_semaphore, #tpu.memory_space<semaphore_mem>>)
        %slice3A_168 = vector.extract_strided_slice %get3A_44 {offsets = [3], sizes = [1], strides = [1]} : vector<16xi32> to vector<1xi32>
        %squeeze3A_169 = vector.extract %slice3A_168[0] : i32 from vector<1xi32>
        %slice3A_170 = vector.extract_strided_slice %get3A_50 {offsets = [3], sizes = [1], strides = [1]} : vector<16xi32> to vector<1xi32>
        %squeeze3A_171 = vector.extract %slice3A_170[0] : i32 from vector<1xi32>
        %mul3A_172 = arith.constant 16 : i32
        %mul3A_173 = arith.muli %add3A_39, %mul3A_172 : i32
        %add3A_174 = arith.constant 3 : i32
        %add3A_175 = arith.addi %mul3A_173, %add3A_174 : i32
        %dma_start3A_176 = arith.constant 0 : i32
        %dma_start3A_177 = tpu.memref_slice %arg14[%add3A_175, %dma_start3A_176] : memref<128x32xf32, #tpu.memory_space<vmem>> -> memref<1x32xf32, #tpu.memory_space<vmem>>
        %dma_start3A_178 = arith.constant 0 : i32
        %dma_start3A_179 = tpu.memref_slice %arg4[%squeeze3A_169, %dma_start3A_178] : memref<1000001x32xf32, #tpu.memory_space<hbm>> -> memref<1x32xf32, #tpu.memory_space<hbm>>
        %dma_start3A_180 = arith.constant 0 : i32
        %dma_start3A_181 = tpu.memref_slice %arg14[%add3A_175, %dma_start3A_180] : memref<128x32xf32, #tpu.memory_space<vmem>> -> memref<1x32xf32, #tpu.memory_space<vmem>>
        %dma_start3A_182 = arith.constant 0 : i32
        %dma_start3A_183 = tpu.memref_slice %arg4[%squeeze3A_169, %dma_start3A_182] : memref<1000001x32xf32, #tpu.memory_space<hbm>> -> memref<1x32xf32, #tpu.memory_space<hbm>>
        tpu.enqueue_dma source(%dma_start3A_183 : memref<1x32xf32, #tpu.memory_space<hbm>>) target(%dma_start3A_181 : memref<1x32xf32, #tpu.memory_space<vmem>>) target_semaphore(%arg18 : memref<!tpu.dma_semaphore, #tpu.memory_space<semaphore_mem>>)
        %dma_start3A_184 = arith.constant 0 : i32
        %dma_start3A_185 = tpu.memref_slice %arg15[%add3A_175, %dma_start3A_184] : memref<128x32xf32, #tpu.memory_space<vmem>> -> memref<1x32xf32, #tpu.memory_space<vmem>>
        %dma_start3A_186 = arith.constant 0 : i32
        %dma_start3A_187 = tpu.memref_slice %arg5[%squeeze3A_171, %dma_start3A_186] : memref<100001x32xf32, #tpu.memory_space<hbm>> -> memref<1x32xf32, #tpu.memory_space<hbm>>
        %dma_start3A_188 = arith.constant 0 : i32
        %dma_start3A_189 = tpu.memref_slice %arg15[%add3A_175, %dma_start3A_188] : memref<128x32xf32, #tpu.memory_space<vmem>> -> memref<1x32xf32, #tpu.memory_space<vmem>>
        %dma_start3A_190 = arith.constant 0 : i32
        %dma_start3A_191 = tpu.memref_slice %arg5[%squeeze3A_171, %dma_start3A_190] : memref<100001x32xf32, #tpu.memory_space<hbm>> -> memref<1x32xf32, #tpu.memory_space<hbm>>
        tpu.enqueue_dma source(%dma_start3A_191 : memref<1x32xf32, #tpu.memory_space<hbm>>) target(%dma_start3A_189 : memref<1x32xf32, #tpu.memory_space<vmem>>) target_semaphore(%arg18 : memref<!tpu.dma_semaphore, #tpu.memory_space<semaphore_mem>>)
        %dma_start3A_192 = arith.constant 0 : i32
        %dma_start3A_193 = tpu.memref_slice %arg16[%add3A_175, %dma_start3A_192] : memref<128x64xf32, #tpu.memory_space<vmem>> -> memref<1x64xf32, #tpu.memory_space<vmem>>
        %dma_start3A_194 = arith.constant 0 : i32
        %dma_start3A_195 = tpu.memref_slice %arg6[%squeeze3A_169, %dma_start3A_194] : memref<1000001x64xf32, #tpu.memory_space<hbm>> -> memref<1x64xf32, #tpu.memory_space<hbm>>
        %dma_start3A_196 = arith.constant 0 : i32
        %dma_start3A_197 = tpu.memref_slice %arg16[%add3A_175, %dma_start3A_196] : memref<128x64xf32, #tpu.memory_space<vmem>> -> memref<1x64xf32, #tpu.memory_space<vmem>>
        %dma_start3A_198 = arith.constant 0 : i32
        %dma_start3A_199 = tpu.memref_slice %arg6[%squeeze3A_169, %dma_start3A_198] : memref<1000001x64xf32, #tpu.memory_space<hbm>> -> memref<1x64xf32, #tpu.memory_space<hbm>>
        tpu.enqueue_dma source(%dma_start3A_199 : memref<1x64xf32, #tpu.memory_space<hbm>>) target(%dma_start3A_197 : memref<1x64xf32, #tpu.memory_space<vmem>>) target_semaphore(%arg18 : memref<!tpu.dma_semaphore, #tpu.memory_space<semaphore_mem>>)
        %dma_start3A_200 = arith.constant 0 : i32
        %dma_start3A_201 = tpu.memref_slice %arg17[%add3A_175, %dma_start3A_200] : memref<128x64xf32, #tpu.memory_space<vmem>> -> memref<1x64xf32, #tpu.memory_space<vmem>>
        %dma_start3A_202 = arith.constant 0 : i32
        %dma_start3A_203 = tpu.memref_slice %arg7[%squeeze3A_171, %dma_start3A_202] : memref<100001x64xf32, #tpu.memory_space<hbm>> -> memref<1x64xf32, #tpu.memory_space<hbm>>
        %dma_start3A_204 = arith.constant 0 : i32
        %dma_start3A_205 = tpu.memref_slice %arg17[%add3A_175, %dma_start3A_204] : memref<128x64xf32, #tpu.memory_space<vmem>> -> memref<1x64xf32, #tpu.memory_space<vmem>>
        %dma_start3A_206 = arith.constant 0 : i32
        %dma_start3A_207 = tpu.memref_slice %arg7[%squeeze3A_171, %dma_start3A_206] : memref<100001x64xf32, #tpu.memory_space<hbm>> -> memref<1x64xf32, #tpu.memory_space<hbm>>
        tpu.enqueue_dma source(%dma_start3A_207 : memref<1x64xf32, #tpu.memory_space<hbm>>) target(%dma_start3A_205 : memref<1x64xf32, #tpu.memory_space<vmem>>) target_semaphore(%arg18 : memref<!tpu.dma_semaphore, #tpu.memory_space<semaphore_mem>>)
        %slice3A_208 = vector.extract_strided_slice %get3A_44 {offsets = [4], sizes = [1], strides = [1]} : vector<16xi32> to vector<1xi32>
        %squeeze3A_209 = vector.extract %slice3A_208[0] : i32 from vector<1xi32>
        %slice3A_210 = vector.extract_strided_slice %get3A_50 {offsets = [4], sizes = [1], strides = [1]} : vector<16xi32> to vector<1xi32>
        %squeeze3A_211 = vector.extract %slice3A_210[0] : i32 from vector<1xi32>
        %mul3A_212 = arith.constant 16 : i32
        %mul3A_213 = arith.muli %add3A_39, %mul3A_212 : i32
        %add3A_214 = arith.constant 4 : i32
        %add3A_215 = arith.addi %mul3A_213, %add3A_214 : i32
        %dma_start3A_216 = arith.constant 0 : i32
        %dma_start3A_217 = tpu.memref_slice %arg14[%add3A_215, %dma_start3A_216] : memref<128x32xf32, #tpu.memory_space<vmem>> -> memref<1x32xf32, #tpu.memory_space<vmem>>
        %dma_start3A_218 = arith.constant 0 : i32
        %dma_start3A_219 = tpu.memref_slice %arg4[%squeeze3A_209, %dma_start3A_218] : memref<1000001x32xf32, #tpu.memory_space<hbm>> -> memref<1x32xf32, #tpu.memory_space<hbm>>
        %dma_start3A_220 = arith.constant 0 : i32
        %dma_start3A_221 = tpu.memref_slice %arg14[%add3A_215, %dma_start3A_220] : memref<128x32xf32, #tpu.memory_space<vmem>> -> memref<1x32xf32, #tpu.memory_space<vmem>>
        %dma_start3A_222 = arith.constant 0 : i32
        %dma_start3A_223 = tpu.memref_slice %arg4[%squeeze3A_209, %dma_start3A_222] : memref<1000001x32xf32, #tpu.memory_space<hbm>> -> memref<1x32xf32, #tpu.memory_space<hbm>>
        tpu.enqueue_dma source(%dma_start3A_223 : memref<1x32xf32, #tpu.memory_space<hbm>>) target(%dma_start3A_221 : memref<1x32xf32, #tpu.memory_space<vmem>>) target_semaphore(%arg18 : memref<!tpu.dma_semaphore, #tpu.memory_space<semaphore_mem>>)
        %dma_start3A_224 = arith.constant 0 : i32
        %dma_start3A_225 = tpu.memref_slice %arg15[%add3A_215, %dma_start3A_224] : memref<128x32xf32, #tpu.memory_space<vmem>> -> memref<1x32xf32, #tpu.memory_space<vmem>>
        %dma_start3A_226 = arith.constant 0 : i32
        %dma_start3A_227 = tpu.memref_slice %arg5[%squeeze3A_211, %dma_start3A_226] : memref<100001x32xf32, #tpu.memory_space<hbm>> -> memref<1x32xf32, #tpu.memory_space<hbm>>
        %dma_start3A_228 = arith.constant 0 : i32
        %dma_start3A_229 = tpu.memref_slice %arg15[%add3A_215, %dma_start3A_228] : memref<128x32xf32, #tpu.memory_space<vmem>> -> memref<1x32xf32, #tpu.memory_space<vmem>>
        %dma_start3A_230 = arith.constant 0 : i32
        %dma_start3A_231 = tpu.memref_slice %arg5[%squeeze3A_211, %dma_start3A_230] : memref<100001x32xf32, #tpu.memory_space<hbm>> -> memref<1x32xf32, #tpu.memory_space<hbm>>
        tpu.enqueue_dma source(%dma_start3A_231 : memref<1x32xf32, #tpu.memory_space<hbm>>) target(%dma_start3A_229 : memref<1x32xf32, #tpu.memory_space<vmem>>) target_semaphore(%arg18 : memref<!tpu.dma_semaphore, #tpu.memory_space<semaphore_mem>>)
        %dma_start3A_232 = arith.constant 0 : i32
        %dma_start3A_233 = tpu.memref_slice %arg16[%add3A_215, %dma_start3A_232] : memref<128x64xf32, #tpu.memory_space<vmem>> -> memref<1x64xf32, #tpu.memory_space<vmem>>
        %dma_start3A_234 = arith.constant 0 : i32
        %dma_start3A_235 = tpu.memref_slice %arg6[%squeeze3A_209, %dma_start3A_234] : memref<1000001x64xf32, #tpu.memory_space<hbm>> -> memref<1x64xf32, #tpu.memory_space<hbm>>
        %dma_start3A_236 = arith.constant 0 : i32
        %dma_start3A_237 = tpu.memref_slice %arg16[%add3A_215, %dma_start3A_236] : memref<128x64xf32, #tpu.memory_space<vmem>> -> memref<1x64xf32, #tpu.memory_space<vmem>>
        %dma_start3A_238 = arith.constant 0 : i32
        %dma_start3A_239 = tpu.memref_slice %arg6[%squeeze3A_209, %dma_start3A_238] : memref<1000001x64xf32, #tpu.memory_space<hbm>> -> memref<1x64xf32, #tpu.memory_space<hbm>>
        tpu.enqueue_dma source(%dma_start3A_239 : memref<1x64xf32, #tpu.memory_space<hbm>>) target(%dma_start3A_237 : memref<1x64xf32, #tpu.memory_space<vmem>>) target_semaphore(%arg18 : memref<!tpu.dma_semaphore, #tpu.memory_space<semaphore_mem>>)
        %dma_start3A_240 = arith.constant 0 : i32
        %dma_start3A_241 = tpu.memref_slice %arg17[%add3A_215, %dma_start3A_240] : memref<128x64xf32, #tpu.memory_space<vmem>> -> memref<1x64xf32, #tpu.memory_space<vmem>>
        %dma_start3A_242 = arith.constant 0 : i32
        %dma_start3A_243 = tpu.memref_slice %arg7[%squeeze3A_211, %dma_start3A_242] : memref<100001x64xf32, #tpu.memory_space<hbm>> -> memref<1x64xf32, #tpu.memory_space<hbm>>
        %dma_start3A_244 = arith.constant 0 : i32
        %dma_start3A_245 = tpu.memref_slice %arg17[%add3A_215, %dma_start3A_244] : memref<128x64xf32, #tpu.memory_space<vmem>> -> memref<1x64xf32, #tpu.memory_space<vmem>>
        %dma_start3A_246 = arith.constant 0 : i32
        %dma_start3A_247 = tpu.memref_slice %arg7[%squeeze3A_211, %dma_start3A_246] : memref<100001x64xf32, #tpu.memory_space<hbm>> -> memref<1x64xf32, #tpu.memory_space<hbm>>
        tpu.enqueue_dma source(%dma_start3A_247 : memref<1x64xf32, #tpu.memory_space<hbm>>) target(%dma_start3A_245 : memref<1x64xf32, #tpu.memory_space<vmem>>) target_semaphore(%arg18 : memref<!tpu.dma_semaphore, #tpu.memory_space<semaphore_mem>>)
        %slice3A_248 = vector.extract_strided_slice %get3A_44 {offsets = [5], sizes = [1], strides = [1]} : vector<16xi32> to vector<1xi32>
        %squeeze3A_249 = vector.extract %slice3A_248[0] : i32 from vector<1xi32>
        %slice3A_250 = vector.extract_strided_slice %get3A_50 {offsets = [5], sizes = [1], strides = [1]} : vector<16xi32> to vector<1xi32>
        %squeeze3A_251 = vector.extract %slice3A_250[0] : i32 from vector<1xi32>
        %mul3A_252 = arith.constant 16 : i32
        %mul3A_253 = arith.muli %add3A_39, %mul3A_252 : i32
        %add3A_254 = arith.constant 5 : i32
        %add3A_255 = arith.addi %mul3A_253, %add3A_254 : i32
        %dma_start3A_256 = arith.constant 0 : i32
        %dma_start3A_257 = tpu.memref_slice %arg14[%add3A_255, %dma_start3A_256] : memref<128x32xf32, #tpu.memory_space<vmem>> -> memref<1x32xf32, #tpu.memory_space<vmem>>
        %dma_start3A_258 = arith.constant 0 : i32
        %dma_start3A_259 = tpu.memref_slice %arg4[%squeeze3A_249, %dma_start3A_258] : memref<1000001x32xf32, #tpu.memory_space<hbm>> -> memref<1x32xf32, #tpu.memory_space<hbm>>
        %dma_start3A_260 = arith.constant 0 : i32
        %dma_start3A_261 = tpu.memref_slice %arg14[%add3A_255, %dma_start3A_260] : memref<128x32xf32, #tpu.memory_space<vmem>> -> memref<1x32xf32, #tpu.memory_space<vmem>>
        %dma_start3A_262 = arith.constant 0 : i32
        %dma_start3A_263 = tpu.memref_slice %arg4[%squeeze3A_249, %dma_start3A_262] : memref<1000001x32xf32, #tpu.memory_space<hbm>> -> memref<1x32xf32, #tpu.memory_space<hbm>>
        tpu.enqueue_dma source(%dma_start3A_263 : memref<1x32xf32, #tpu.memory_space<hbm>>) target(%dma_start3A_261 : memref<1x32xf32, #tpu.memory_space<vmem>>) target_semaphore(%arg18 : memref<!tpu.dma_semaphore, #tpu.memory_space<semaphore_mem>>)
        %dma_start3A_264 = arith.constant 0 : i32
        %dma_start3A_265 = tpu.memref_slice %arg15[%add3A_255, %dma_start3A_264] : memref<128x32xf32, #tpu.memory_space<vmem>> -> memref<1x32xf32, #tpu.memory_space<vmem>>
        %dma_start3A_266 = arith.constant 0 : i32
        %dma_start3A_267 = tpu.memref_slice %arg5[%squeeze3A_251, %dma_start3A_266] : memref<100001x32xf32, #tpu.memory_space<hbm>> -> memref<1x32xf32, #tpu.memory_space<hbm>>
        %dma_start3A_268 = arith.constant 0 : i32
        %dma_start3A_269 = tpu.memref_slice %arg15[%add3A_255, %dma_start3A_268] : memref<128x32xf32, #tpu.memory_space<vmem>> -> memref<1x32xf32, #tpu.memory_space<vmem>>
        %dma_start3A_270 = arith.constant 0 : i32
        %dma_start3A_271 = tpu.memref_slice %arg5[%squeeze3A_251, %dma_start3A_270] : memref<100001x32xf32, #tpu.memory_space<hbm>> -> memref<1x32xf32, #tpu.memory_space<hbm>>
        tpu.enqueue_dma source(%dma_start3A_271 : memref<1x32xf32, #tpu.memory_space<hbm>>) target(%dma_start3A_269 : memref<1x32xf32, #tpu.memory_space<vmem>>) target_semaphore(%arg18 : memref<!tpu.dma_semaphore, #tpu.memory_space<semaphore_mem>>)
        %dma_start3A_272 = arith.constant 0 : i32
        %dma_start3A_273 = tpu.memref_slice %arg16[%add3A_255, %dma_start3A_272] : memref<128x64xf32, #tpu.memory_space<vmem>> -> memref<1x64xf32, #tpu.memory_space<vmem>>
        %dma_start3A_274 = arith.constant 0 : i32
        %dma_start3A_275 = tpu.memref_slice %arg6[%squeeze3A_249, %dma_start3A_274] : memref<1000001x64xf32, #tpu.memory_space<hbm>> -> memref<1x64xf32, #tpu.memory_space<hbm>>
        %dma_start3A_276 = arith.constant 0 : i32
        %dma_start3A_277 = tpu.memref_slice %arg16[%add3A_255, %dma_start3A_276] : memref<128x64xf32, #tpu.memory_space<vmem>> -> memref<1x64xf32, #tpu.memory_space<vmem>>
        %dma_start3A_278 = arith.constant 0 : i32
        %dma_start3A_279 = tpu.memref_slice %arg6[%squeeze3A_249, %dma_start3A_278] : memref<1000001x64xf32, #tpu.memory_space<hbm>> -> memref<1x64xf32, #tpu.memory_space<hbm>>
        tpu.enqueue_dma source(%dma_start3A_279 : memref<1x64xf32, #tpu.memory_space<hbm>>) target(%dma_start3A_277 : memref<1x64xf32, #tpu.memory_space<vmem>>) target_semaphore(%arg18 : memref<!tpu.dma_semaphore, #tpu.memory_space<semaphore_mem>>)
        %dma_start3A_280 = arith.constant 0 : i32
        %dma_start3A_281 = tpu.memref_slice %arg17[%add3A_255, %dma_start3A_280] : memref<128x64xf32, #tpu.memory_space<vmem>> -> memref<1x64xf32, #tpu.memory_space<vmem>>
        %dma_start3A_282 = arith.constant 0 : i32
        %dma_start3A_283 = tpu.memref_slice %arg7[%squeeze3A_251, %dma_start3A_282] : memref<100001x64xf32, #tpu.memory_space<hbm>> -> memref<1x64xf32, #tpu.memory_space<hbm>>
        %dma_start3A_284 = arith.constant 0 : i32
        %dma_start3A_285 = tpu.memref_slice %arg17[%add3A_255, %dma_start3A_284] : memref<128x64xf32, #tpu.memory_space<vmem>> -> memref<1x64xf32, #tpu.memory_space<vmem>>
        %dma_start3A_286 = arith.constant 0 : i32
        %dma_start3A_287 = tpu.memref_slice %arg7[%squeeze3A_251, %dma_start3A_286] : memref<100001x64xf32, #tpu.memory_space<hbm>> -> memref<1x64xf32, #tpu.memory_space<hbm>>
        tpu.enqueue_dma source(%dma_start3A_287 : memref<1x64xf32, #tpu.memory_space<hbm>>) target(%dma_start3A_285 : memref<1x64xf32, #tpu.memory_space<vmem>>) target_semaphore(%arg18 : memref<!tpu.dma_semaphore, #tpu.memory_space<semaphore_mem>>)
        %slice3A_288 = vector.extract_strided_slice %get3A_44 {offsets = [6], sizes = [1], strides = [1]} : vector<16xi32> to vector<1xi32>
        %squeeze3A_289 = vector.extract %slice3A_288[0] : i32 from vector<1xi32>
        %slice3A_290 = vector.extract_strided_slice %get3A_50 {offsets = [6], sizes = [1], strides = [1]} : vector<16xi32> to vector<1xi32>
        %squeeze3A_291 = vector.extract %slice3A_290[0] : i32 from vector<1xi32>
        %mul3A_292 = arith.constant 16 : i32
        %mul3A_293 = arith.muli %add3A_39, %mul3A_292 : i32
        %add3A_294 = arith.constant 6 : i32
        %add3A_295 = arith.addi %mul3A_293, %add3A_294 : i32
        %dma_start3A_296 = arith.constant 0 : i32
        %dma_start3A_297 = tpu.memref_slice %arg14[%add3A_295, %dma_start3A_296] : memref<128x32xf32, #tpu.memory_space<vmem>> -> memref<1x32xf32, #tpu.memory_space<vmem>>
        %dma_start3A_298 = arith.constant 0 : i32
        %dma_start3A_299 = tpu.memref_slice %arg4[%squeeze3A_289, %dma_start3A_298] : memref<1000001x32xf32, #tpu.memory_space<hbm>> -> memref<1x32xf32, #tpu.memory_space<hbm>>
        %dma_start3A_300 = arith.constant 0 : i32
        %dma_start3A_301 = tpu.memref_slice %arg14[%add3A_295, %dma_start3A_300] : memref<128x32xf32, #tpu.memory_space<vmem>> -> memref<1x32xf32, #tpu.memory_space<vmem>>
        %dma_start3A_302 = arith.constant 0 : i32
        %dma_start3A_303 = tpu.memref_slice %arg4[%squeeze3A_289, %dma_start3A_302] : memref<1000001x32xf32, #tpu.memory_space<hbm>> -> memref<1x32xf32, #tpu.memory_space<hbm>>
        tpu.enqueue_dma source(%dma_start3A_303 : memref<1x32xf32, #tpu.memory_space<hbm>>) target(%dma_start3A_301 : memref<1x32xf32, #tpu.memory_space<vmem>>) target_semaphore(%arg18 : memref<!tpu.dma_semaphore, #tpu.memory_space<semaphore_mem>>)
        %dma_start3A_304 = arith.constant 0 : i32
        %dma_start3A_305 = tpu.memref_slice %arg15[%add3A_295, %dma_start3A_304] : memref<128x32xf32, #tpu.memory_space<vmem>> -> memref<1x32xf32, #tpu.memory_space<vmem>>
        %dma_start3A_306 = arith.constant 0 : i32
        %dma_start3A_307 = tpu.memref_slice %arg5[%squeeze3A_291, %dma_start3A_306] : memref<100001x32xf32, #tpu.memory_space<hbm>> -> memref<1x32xf32, #tpu.memory_space<hbm>>
        %dma_start3A_308 = arith.constant 0 : i32
        %dma_start3A_309 = tpu.memref_slice %arg15[%add3A_295, %dma_start3A_308] : memref<128x32xf32, #tpu.memory_space<vmem>> -> memref<1x32xf32, #tpu.memory_space<vmem>>
        %dma_start3A_310 = arith.constant 0 : i32
        %dma_start3A_311 = tpu.memref_slice %arg5[%squeeze3A_291, %dma_start3A_310] : memref<100001x32xf32, #tpu.memory_space<hbm>> -> memref<1x32xf32, #tpu.memory_space<hbm>>
        tpu.enqueue_dma source(%dma_start3A_311 : memref<1x32xf32, #tpu.memory_space<hbm>>) target(%dma_start3A_309 : memref<1x32xf32, #tpu.memory_space<vmem>>) target_semaphore(%arg18 : memref<!tpu.dma_semaphore, #tpu.memory_space<semaphore_mem>>)
        %dma_start3A_312 = arith.constant 0 : i32
        %dma_start3A_313 = tpu.memref_slice %arg16[%add3A_295, %dma_start3A_312] : memref<128x64xf32, #tpu.memory_space<vmem>> -> memref<1x64xf32, #tpu.memory_space<vmem>>
        %dma_start3A_314 = arith.constant 0 : i32
        %dma_start3A_315 = tpu.memref_slice %arg6[%squeeze3A_289, %dma_start3A_314] : memref<1000001x64xf32, #tpu.memory_space<hbm>> -> memref<1x64xf32, #tpu.memory_space<hbm>>
        %dma_start3A_316 = arith.constant 0 : i32
        %dma_start3A_317 = tpu.memref_slice %arg16[%add3A_295, %dma_start3A_316] : memref<128x64xf32, #tpu.memory_space<vmem>> -> memref<1x64xf32, #tpu.memory_space<vmem>>
        %dma_start3A_318 = arith.constant 0 : i32
        %dma_start3A_319 = tpu.memref_slice %arg6[%squeeze3A_289, %dma_start3A_318] : memref<1000001x64xf32, #tpu.memory_space<hbm>> -> memref<1x64xf32, #tpu.memory_space<hbm>>
        tpu.enqueue_dma source(%dma_start3A_319 : memref<1x64xf32, #tpu.memory_space<hbm>>) target(%dma_start3A_317 : memref<1x64xf32, #tpu.memory_space<vmem>>) target_semaphore(%arg18 : memref<!tpu.dma_semaphore, #tpu.memory_space<semaphore_mem>>)
        %dma_start3A_320 = arith.constant 0 : i32
        %dma_start3A_321 = tpu.memref_slice %arg17[%add3A_295, %dma_start3A_320] : memref<128x64xf32, #tpu.memory_space<vmem>> -> memref<1x64xf32, #tpu.memory_space<vmem>>
        %dma_start3A_322 = arith.constant 0 : i32
        %dma_start3A_323 = tpu.memref_slice %arg7[%squeeze3A_291, %dma_start3A_322] : memref<100001x64xf32, #tpu.memory_space<hbm>> -> memref<1x64xf32, #tpu.memory_space<hbm>>
        %dma_start3A_324 = arith.constant 0 : i32
        %dma_start3A_325 = tpu.memref_slice %arg17[%add3A_295, %dma_start3A_324] : memref<128x64xf32, #tpu.memory_space<vmem>> -> memref<1x64xf32, #tpu.memory_space<vmem>>
        %dma_start3A_326 = arith.constant 0 : i32
        %dma_start3A_327 = tpu.memref_slice %arg7[%squeeze3A_291, %dma_start3A_326] : memref<100001x64xf32, #tpu.memory_space<hbm>> -> memref<1x64xf32, #tpu.memory_space<hbm>>
        tpu.enqueue_dma source(%dma_start3A_327 : memref<1x64xf32, #tpu.memory_space<hbm>>) target(%dma_start3A_325 : memref<1x64xf32, #tpu.memory_space<vmem>>) target_semaphore(%arg18 : memref<!tpu.dma_semaphore, #tpu.memory_space<semaphore_mem>>)
        %slice3A_328 = vector.extract_strided_slice %get3A_44 {offsets = [7], sizes = [1], strides = [1]} : vector<16xi32> to vector<1xi32>
        %squeeze3A_329 = vector.extract %slice3A_328[0] : i32 from vector<1xi32>
        %slice3A_330 = vector.extract_strided_slice %get3A_50 {offsets = [7], sizes = [1], strides = [1]} : vector<16xi32> to vector<1xi32>
        %squeeze3A_331 = vector.extract %slice3A_330[0] : i32 from vector<1xi32>
        %mul3A_332 = arith.constant 16 : i32
        %mul3A_333 = arith.muli %add3A_39, %mul3A_332 : i32
        %add3A_334 = arith.constant 7 : i32
        %add3A_335 = arith.addi %mul3A_333, %add3A_334 : i32
        %dma_start3A_336 = arith.constant 0 : i32
        %dma_start3A_337 = tpu.memref_slice %arg14[%add3A_335, %dma_start3A_336] : memref<128x32xf32, #tpu.memory_space<vmem>> -> memref<1x32xf32, #tpu.memory_space<vmem>>
        %dma_start3A_338 = arith.constant 0 : i32
        %dma_start3A_339 = tpu.memref_slice %arg4[%squeeze3A_329, %dma_start3A_338] : memref<1000001x32xf32, #tpu.memory_space<hbm>> -> memref<1x32xf32, #tpu.memory_space<hbm>>
        %dma_start3A_340 = arith.constant 0 : i32
        %dma_start3A_341 = tpu.memref_slice %arg14[%add3A_335, %dma_start3A_340] : memref<128x32xf32, #tpu.memory_space<vmem>> -> memref<1x32xf32, #tpu.memory_space<vmem>>
        %dma_start3A_342 = arith.constant 0 : i32
        %dma_start3A_343 = tpu.memref_slice %arg4[%squeeze3A_329, %dma_start3A_342] : memref<1000001x32xf32, #tpu.memory_space<hbm>> -> memref<1x32xf32, #tpu.memory_space<hbm>>
        tpu.enqueue_dma source(%dma_start3A_343 : memref<1x32xf32, #tpu.memory_space<hbm>>) target(%dma_start3A_341 : memref<1x32xf32, #tpu.memory_space<vmem>>) target_semaphore(%arg18 : memref<!tpu.dma_semaphore, #tpu.memory_space<semaphore_mem>>)
        %dma_start3A_344 = arith.constant 0 : i32
        %dma_start3A_345 = tpu.memref_slice %arg15[%add3A_335, %dma_start3A_344] : memref<128x32xf32, #tpu.memory_space<vmem>> -> memref<1x32xf32, #tpu.memory_space<vmem>>
        %dma_start3A_346 = arith.constant 0 : i32
        %dma_start3A_347 = tpu.memref_slice %arg5[%squeeze3A_331, %dma_start3A_346] : memref<100001x32xf32, #tpu.memory_space<hbm>> -> memref<1x32xf32, #tpu.memory_space<hbm>>
        %dma_start3A_348 = arith.constant 0 : i32
        %dma_start3A_349 = tpu.memref_slice %arg15[%add3A_335, %dma_start3A_348] : memref<128x32xf32, #tpu.memory_space<vmem>> -> memref<1x32xf32, #tpu.memory_space<vmem>>
        %dma_start3A_350 = arith.constant 0 : i32
        %dma_start3A_351 = tpu.memref_slice %arg5[%squeeze3A_331, %dma_start3A_350] : memref<100001x32xf32, #tpu.memory_space<hbm>> -> memref<1x32xf32, #tpu.memory_space<hbm>>
        tpu.enqueue_dma source(%dma_start3A_351 : memref<1x32xf32, #tpu.memory_space<hbm>>) target(%dma_start3A_349 : memref<1x32xf32, #tpu.memory_space<vmem>>) target_semaphore(%arg18 : memref<!tpu.dma_semaphore, #tpu.memory_space<semaphore_mem>>)
        %dma_start3A_352 = arith.constant 0 : i32
        %dma_start3A_353 = tpu.memref_slice %arg16[%add3A_335, %dma_start3A_352] : memref<128x64xf32, #tpu.memory_space<vmem>> -> memref<1x64xf32, #tpu.memory_space<vmem>>
        %dma_start3A_354 = arith.constant 0 : i32
        %dma_start3A_355 = tpu.memref_slice %arg6[%squeeze3A_329, %dma_start3A_354] : memref<1000001x64xf32, #tpu.memory_space<hbm>> -> memref<1x64xf32, #tpu.memory_space<hbm>>
        %dma_start3A_356 = arith.constant 0 : i32
        %dma_start3A_357 = tpu.memref_slice %arg16[%add3A_335, %dma_start3A_356] : memref<128x64xf32, #tpu.memory_space<vmem>> -> memref<1x64xf32, #tpu.memory_space<vmem>>
        %dma_start3A_358 = arith.constant 0 : i32
        %dma_start3A_359 = tpu.memref_slice %arg6[%squeeze3A_329, %dma_start3A_358] : memref<1000001x64xf32, #tpu.memory_space<hbm>> -> memref<1x64xf32, #tpu.memory_space<hbm>>
        tpu.enqueue_dma source(%dma_start3A_359 : memref<1x64xf32, #tpu.memory_space<hbm>>) target(%dma_start3A_357 : memref<1x64xf32, #tpu.memory_space<vmem>>) target_semaphore(%arg18 : memref<!tpu.dma_semaphore, #tpu.memory_space<semaphore_mem>>)
        %dma_start3A_360 = arith.constant 0 : i32
        %dma_start3A_361 = tpu.memref_slice %arg17[%add3A_335, %dma_start3A_360] : memref<128x64xf32, #tpu.memory_space<vmem>> -> memref<1x64xf32, #tpu.memory_space<vmem>>
        %dma_start3A_362 = arith.constant 0 : i32
        %dma_start3A_363 = tpu.memref_slice %arg7[%squeeze3A_331, %dma_start3A_362] : memref<100001x64xf32, #tpu.memory_space<hbm>> -> memref<1x64xf32, #tpu.memory_space<hbm>>
        %dma_start3A_364 = arith.constant 0 : i32
        %dma_start3A_365 = tpu.memref_slice %arg17[%add3A_335, %dma_start3A_364] : memref<128x64xf32, #tpu.memory_space<vmem>> -> memref<1x64xf32, #tpu.memory_space<vmem>>
        %dma_start3A_366 = arith.constant 0 : i32
        %dma_start3A_367 = tpu.memref_slice %arg7[%squeeze3A_331, %dma_start3A_366] : memref<100001x64xf32, #tpu.memory_space<hbm>> -> memref<1x64xf32, #tpu.memory_space<hbm>>
        tpu.enqueue_dma source(%dma_start3A_367 : memref<1x64xf32, #tpu.memory_space<hbm>>) target(%dma_start3A_365 : memref<1x64xf32, #tpu.memory_space<vmem>>) target_semaphore(%arg18 : memref<!tpu.dma_semaphore, #tpu.memory_space<semaphore_mem>>)
        %slice3A_368 = vector.extract_strided_slice %get3A_44 {offsets = [8], sizes = [1], strides = [1]} : vector<16xi32> to vector<1xi32>
        %squeeze3A_369 = vector.extract %slice3A_368[0] : i32 from vector<1xi32>
        %slice3A_370 = vector.extract_strided_slice %get3A_50 {offsets = [8], sizes = [1], strides = [1]} : vector<16xi32> to vector<1xi32>
        %squeeze3A_371 = vector.extract %slice3A_370[0] : i32 from vector<1xi32>
        %mul3A_372 = arith.constant 16 : i32
        %mul3A_373 = arith.muli %add3A_39, %mul3A_372 : i32
        %add3A_374 = arith.constant 8 : i32
        %add3A_375 = arith.addi %mul3A_373, %add3A_374 : i32
        %dma_start3A_376 = arith.constant 0 : i32
        %dma_start3A_377 = tpu.memref_slice %arg14[%add3A_375, %dma_start3A_376] : memref<128x32xf32, #tpu.memory_space<vmem>> -> memref<1x32xf32, #tpu.memory_space<vmem>>
        %dma_start3A_378 = arith.constant 0 : i32
        %dma_start3A_379 = tpu.memref_slice %arg4[%squeeze3A_369, %dma_start3A_378] : memref<1000001x32xf32, #tpu.memory_space<hbm>> -> memref<1x32xf32, #tpu.memory_space<hbm>>
        %dma_start3A_380 = arith.constant 0 : i32
        %dma_start3A_381 = tpu.memref_slice %arg14[%add3A_375, %dma_start3A_380] : memref<128x32xf32, #tpu.memory_space<vmem>> -> memref<1x32xf32, #tpu.memory_space<vmem>>
        %dma_start3A_382 = arith.constant 0 : i32
        %dma_start3A_383 = tpu.memref_slice %arg4[%squeeze3A_369, %dma_start3A_382] : memref<1000001x32xf32, #tpu.memory_space<hbm>> -> memref<1x32xf32, #tpu.memory_space<hbm>>
        tpu.enqueue_dma source(%dma_start3A_383 : memref<1x32xf32, #tpu.memory_space<hbm>>) target(%dma_start3A_381 : memref<1x32xf32, #tpu.memory_space<vmem>>) target_semaphore(%arg18 : memref<!tpu.dma_semaphore, #tpu.memory_space<semaphore_mem>>)
        %dma_start3A_384 = arith.constant 0 : i32
        %dma_start3A_385 = tpu.memref_slice %arg15[%add3A_375, %dma_start3A_384] : memref<128x32xf32, #tpu.memory_space<vmem>> -> memref<1x32xf32, #tpu.memory_space<vmem>>
        %dma_start3A_386 = arith.constant 0 : i32
        %dma_start3A_387 = tpu.memref_slice %arg5[%squeeze3A_371, %dma_start3A_386] : memref<100001x32xf32, #tpu.memory_space<hbm>> -> memref<1x32xf32, #tpu.memory_space<hbm>>
        %dma_start3A_388 = arith.constant 0 : i32
        %dma_start3A_389 = tpu.memref_slice %arg15[%add3A_375, %dma_start3A_388] : memref<128x32xf32, #tpu.memory_space<vmem>> -> memref<1x32xf32, #tpu.memory_space<vmem>>
        %dma_start3A_390 = arith.constant 0 : i32
        %dma_start3A_391 = tpu.memref_slice %arg5[%squeeze3A_371, %dma_start3A_390] : memref<100001x32xf32, #tpu.memory_space<hbm>> -> memref<1x32xf32, #tpu.memory_space<hbm>>
        tpu.enqueue_dma source(%dma_start3A_391 : memref<1x32xf32, #tpu.memory_space<hbm>>) target(%dma_start3A_389 : memref<1x32xf32, #tpu.memory_space<vmem>>) target_semaphore(%arg18 : memref<!tpu.dma_semaphore, #tpu.memory_space<semaphore_mem>>)
        %dma_start3A_392 = arith.constant 0 : i32
        %dma_start3A_393 = tpu.memref_slice %arg16[%add3A_375, %dma_start3A_392] : memref<128x64xf32, #tpu.memory_space<vmem>> -> memref<1x64xf32, #tpu.memory_space<vmem>>
        %dma_start3A_394 = arith.constant 0 : i32
        %dma_start3A_395 = tpu.memref_slice %arg6[%squeeze3A_369, %dma_start3A_394] : memref<1000001x64xf32, #tpu.memory_space<hbm>> -> memref<1x64xf32, #tpu.memory_space<hbm>>
        %dma_start3A_396 = arith.constant 0 : i32
        %dma_start3A_397 = tpu.memref_slice %arg16[%add3A_375, %dma_start3A_396] : memref<128x64xf32, #tpu.memory_space<vmem>> -> memref<1x64xf32, #tpu.memory_space<vmem>>
        %dma_start3A_398 = arith.constant 0 : i32
        %dma_start3A_399 = tpu.memref_slice %arg6[%squeeze3A_369, %dma_start3A_398] : memref<1000001x64xf32, #tpu.memory_space<hbm>> -> memref<1x64xf32, #tpu.memory_space<hbm>>
        tpu.enqueue_dma source(%dma_start3A_399 : memref<1x64xf32, #tpu.memory_space<hbm>>) target(%dma_start3A_397 : memref<1x64xf32, #tpu.memory_space<vmem>>) target_semaphore(%arg18 : memref<!tpu.dma_semaphore, #tpu.memory_space<semaphore_mem>>)
        %dma_start3A_400 = arith.constant 0 : i32
        %dma_start3A_401 = tpu.memref_slice %arg17[%add3A_375, %dma_start3A_400] : memref<128x64xf32, #tpu.memory_space<vmem>> -> memref<1x64xf32, #tpu.memory_space<vmem>>
        %dma_start3A_402 = arith.constant 0 : i32
        %dma_start3A_403 = tpu.memref_slice %arg7[%squeeze3A_371, %dma_start3A_402] : memref<100001x64xf32, #tpu.memory_space<hbm>> -> memref<1x64xf32, #tpu.memory_space<hbm>>
        %dma_start3A_404 = arith.constant 0 : i32
        %dma_start3A_405 = tpu.memref_slice %arg17[%add3A_375, %dma_start3A_404] : memref<128x64xf32, #tpu.memory_space<vmem>> -> memref<1x64xf32, #tpu.memory_space<vmem>>
        %dma_start3A_406 = arith.constant 0 : i32
        %dma_start3A_407 = tpu.memref_slice %arg7[%squeeze3A_371, %dma_start3A_406] : memref<100001x64xf32, #tpu.memory_space<hbm>> -> memref<1x64xf32, #tpu.memory_space<hbm>>
        tpu.enqueue_dma source(%dma_start3A_407 : memref<1x64xf32, #tpu.memory_space<hbm>>) target(%dma_start3A_405 : memref<1x64xf32, #tpu.memory_space<vmem>>) target_semaphore(%arg18 : memref<!tpu.dma_semaphore, #tpu.memory_space<semaphore_mem>>)
        %slice3A_408 = vector.extract_strided_slice %get3A_44 {offsets = [9], sizes = [1], strides = [1]} : vector<16xi32> to vector<1xi32>
        %squeeze3A_409 = vector.extract %slice3A_408[0] : i32 from vector<1xi32>
        %slice3A_410 = vector.extract_strided_slice %get3A_50 {offsets = [9], sizes = [1], strides = [1]} : vector<16xi32> to vector<1xi32>
        %squeeze3A_411 = vector.extract %slice3A_410[0] : i32 from vector<1xi32>
        %mul3A_412 = arith.constant 16 : i32
        %mul3A_413 = arith.muli %add3A_39, %mul3A_412 : i32
        %add3A_414 = arith.constant 9 : i32
        %add3A_415 = arith.addi %mul3A_413, %add3A_414 : i32
        %dma_start3A_416 = arith.constant 0 : i32
        %dma_start3A_417 = tpu.memref_slice %arg14[%add3A_415, %dma_start3A_416] : memref<128x32xf32, #tpu.memory_space<vmem>> -> memref<1x32xf32, #tpu.memory_space<vmem>>
        %dma_start3A_418 = arith.constant 0 : i32
        %dma_start3A_419 = tpu.memref_slice %arg4[%squeeze3A_409, %dma_start3A_418] : memref<1000001x32xf32, #tpu.memory_space<hbm>> -> memref<1x32xf32, #tpu.memory_space<hbm>>
        %dma_start3A_420 = arith.constant 0 : i32
        %dma_start3A_421 = tpu.memref_slice %arg14[%add3A_415, %dma_start3A_420] : memref<128x32xf32, #tpu.memory_space<vmem>> -> memref<1x32xf32, #tpu.memory_space<vmem>>
        %dma_start3A_422 = arith.constant 0 : i32
        %dma_start3A_423 = tpu.memref_slice %arg4[%squeeze3A_409, %dma_start3A_422] : memref<1000001x32xf32, #tpu.memory_space<hbm>> -> memref<1x32xf32, #tpu.memory_space<hbm>>
        tpu.enqueue_dma source(%dma_start3A_423 : memref<1x32xf32, #tpu.memory_space<hbm>>) target(%dma_start3A_421 : memref<1x32xf32, #tpu.memory_space<vmem>>) target_semaphore(%arg18 : memref<!tpu.dma_semaphore, #tpu.memory_space<semaphore_mem>>)
        %dma_start3A_424 = arith.constant 0 : i32
        %dma_start3A_425 = tpu.memref_slice %arg15[%add3A_415, %dma_start3A_424] : memref<128x32xf32, #tpu.memory_space<vmem>> -> memref<1x32xf32, #tpu.memory_space<vmem>>
        %dma_start3A_426 = arith.constant 0 : i32
        %dma_start3A_427 = tpu.memref_slice %arg5[%squeeze3A_411, %dma_start3A_426] : memref<100001x32xf32, #tpu.memory_space<hbm>> -> memref<1x32xf32, #tpu.memory_space<hbm>>
        %dma_start3A_428 = arith.constant 0 : i32
        %dma_start3A_429 = tpu.memref_slice %arg15[%add3A_415, %dma_start3A_428] : memref<128x32xf32, #tpu.memory_space<vmem>> -> memref<1x32xf32, #tpu.memory_space<vmem>>
        %dma_start3A_430 = arith.constant 0 : i32
        %dma_start3A_431 = tpu.memref_slice %arg5[%squeeze3A_411, %dma_start3A_430] : memref<100001x32xf32, #tpu.memory_space<hbm>> -> memref<1x32xf32, #tpu.memory_space<hbm>>
        tpu.enqueue_dma source(%dma_start3A_431 : memref<1x32xf32, #tpu.memory_space<hbm>>) target(%dma_start3A_429 : memref<1x32xf32, #tpu.memory_space<vmem>>) target_semaphore(%arg18 : memref<!tpu.dma_semaphore, #tpu.memory_space<semaphore_mem>>)
        %dma_start3A_432 = arith.constant 0 : i32
        %dma_start3A_433 = tpu.memref_slice %arg16[%add3A_415, %dma_start3A_432] : memref<128x64xf32, #tpu.memory_space<vmem>> -> memref<1x64xf32, #tpu.memory_space<vmem>>
        %dma_start3A_434 = arith.constant 0 : i32
        %dma_start3A_435 = tpu.memref_slice %arg6[%squeeze3A_409, %dma_start3A_434] : memref<1000001x64xf32, #tpu.memory_space<hbm>> -> memref<1x64xf32, #tpu.memory_space<hbm>>
        %dma_start3A_436 = arith.constant 0 : i32
        %dma_start3A_437 = tpu.memref_slice %arg16[%add3A_415, %dma_start3A_436] : memref<128x64xf32, #tpu.memory_space<vmem>> -> memref<1x64xf32, #tpu.memory_space<vmem>>
        %dma_start3A_438 = arith.constant 0 : i32
        %dma_start3A_439 = tpu.memref_slice %arg6[%squeeze3A_409, %dma_start3A_438] : memref<1000001x64xf32, #tpu.memory_space<hbm>> -> memref<1x64xf32, #tpu.memory_space<hbm>>
        tpu.enqueue_dma source(%dma_start3A_439 : memref<1x64xf32, #tpu.memory_space<hbm>>) target(%dma_start3A_437 : memref<1x64xf32, #tpu.memory_space<vmem>>) target_semaphore(%arg18 : memref<!tpu.dma_semaphore, #tpu.memory_space<semaphore_mem>>)
        %dma_start3A_440 = arith.constant 0 : i32
        %dma_start3A_441 = tpu.memref_slice %arg17[%add3A_415, %dma_start3A_440] : memref<128x64xf32, #tpu.memory_space<vmem>> -> memref<1x64xf32, #tpu.memory_space<vmem>>
        %dma_start3A_442 = arith.constant 0 : i32
        %dma_start3A_443 = tpu.memref_slice %arg7[%squeeze3A_411, %dma_start3A_442] : memref<100001x64xf32, #tpu.memory_space<hbm>> -> memref<1x64xf32, #tpu.memory_space<hbm>>
        %dma_start3A_444 = arith.constant 0 : i32
        %dma_start3A_445 = tpu.memref_slice %arg17[%add3A_415, %dma_start3A_444] : memref<128x64xf32, #tpu.memory_space<vmem>> -> memref<1x64xf32, #tpu.memory_space<vmem>>
        %dma_start3A_446 = arith.constant 0 : i32
        %dma_start3A_447 = tpu.memref_slice %arg7[%squeeze3A_411, %dma_start3A_446] : memref<100001x64xf32, #tpu.memory_space<hbm>> -> memref<1x64xf32, #tpu.memory_space<hbm>>
        tpu.enqueue_dma source(%dma_start3A_447 : memref<1x64xf32, #tpu.memory_space<hbm>>) target(%dma_start3A_445 : memref<1x64xf32, #tpu.memory_space<vmem>>) target_semaphore(%arg18 : memref<!tpu.dma_semaphore, #tpu.memory_space<semaphore_mem>>)
        %slice3A_448 = vector.extract_strided_slice %get3A_44 {offsets = [10], sizes = [1], strides = [1]} : vector<16xi32> to vector<1xi32>
        %squeeze3A_449 = vector.extract %slice3A_448[0] : i32 from vector<1xi32>
        %slice3A_450 = vector.extract_strided_slice %get3A_50 {offsets = [10], sizes = [1], strides = [1]} : vector<16xi32> to vector<1xi32>
        %squeeze3A_451 = vector.extract %slice3A_450[0] : i32 from vector<1xi32>
        %mul3A_452 = arith.constant 16 : i32
        %mul3A_453 = arith.muli %add3A_39, %mul3A_452 : i32
        %add3A_454 = arith.constant 10 : i32
        %add3A_455 = arith.addi %mul3A_453, %add3A_454 : i32
        %dma_start3A_456 = arith.constant 0 : i32
        %dma_start3A_457 = tpu.memref_slice %arg14[%add3A_455, %dma_start3A_456] : memref<128x32xf32, #tpu.memory_space<vmem>> -> memref<1x32xf32, #tpu.memory_space<vmem>>
        %dma_start3A_458 = arith.constant 0 : i32
        %dma_start3A_459 = tpu.memref_slice %arg4[%squeeze3A_449, %dma_start3A_458] : memref<1000001x32xf32, #tpu.memory_space<hbm>> -> memref<1x32xf32, #tpu.memory_space<hbm>>
        %dma_start3A_460 = arith.constant 0 : i32
        %dma_start3A_461 = tpu.memref_slice %arg14[%add3A_455, %dma_start3A_460] : memref<128x32xf32, #tpu.memory_space<vmem>> -> memref<1x32xf32, #tpu.memory_space<vmem>>
        %dma_start3A_462 = arith.constant 0 : i32
        %dma_start3A_463 = tpu.memref_slice %arg4[%squeeze3A_449, %dma_start3A_462] : memref<1000001x32xf32, #tpu.memory_space<hbm>> -> memref<1x32xf32, #tpu.memory_space<hbm>>
        tpu.enqueue_dma source(%dma_start3A_463 : memref<1x32xf32, #tpu.memory_space<hbm>>) target(%dma_start3A_461 : memref<1x32xf32, #tpu.memory_space<vmem>>) target_semaphore(%arg18 : memref<!tpu.dma_semaphore, #tpu.memory_space<semaphore_mem>>)
        %dma_start3A_464 = arith.constant 0 : i32
        %dma_start3A_465 = tpu.memref_slice %arg15[%add3A_455, %dma_start3A_464] : memref<128x32xf32, #tpu.memory_space<vmem>> -> memref<1x32xf32, #tpu.memory_space<vmem>>
        %dma_start3A_466 = arith.constant 0 : i32
        %dma_start3A_467 = tpu.memref_slice %arg5[%squeeze3A_451, %dma_start3A_466] : memref<100001x32xf32, #tpu.memory_space<hbm>> -> memref<1x32xf32, #tpu.memory_space<hbm>>
        %dma_start3A_468 = arith.constant 0 : i32
        %dma_start3A_469 = tpu.memref_slice %arg15[%add3A_455, %dma_start3A_468] : memref<128x32xf32, #tpu.memory_space<vmem>> -> memref<1x32xf32, #tpu.memory_space<vmem>>
        %dma_start3A_470 = arith.constant 0 : i32
        %dma_start3A_471 = tpu.memref_slice %arg5[%squeeze3A_451, %dma_start3A_470] : memref<100001x32xf32, #tpu.memory_space<hbm>> -> memref<1x32xf32, #tpu.memory_space<hbm>>
        tpu.enqueue_dma source(%dma_start3A_471 : memref<1x32xf32, #tpu.memory_space<hbm>>) target(%dma_start3A_469 : memref<1x32xf32, #tpu.memory_space<vmem>>) target_semaphore(%arg18 : memref<!tpu.dma_semaphore, #tpu.memory_space<semaphore_mem>>)
        %dma_start3A_472 = arith.constant 0 : i32
        %dma_start3A_473 = tpu.memref_slice %arg16[%add3A_455, %dma_start3A_472] : memref<128x64xf32, #tpu.memory_space<vmem>> -> memref<1x64xf32, #tpu.memory_space<vmem>>
        %dma_start3A_474 = arith.constant 0 : i32
        %dma_start3A_475 = tpu.memref_slice %arg6[%squeeze3A_449, %dma_start3A_474] : memref<1000001x64xf32, #tpu.memory_space<hbm>> -> memref<1x64xf32, #tpu.memory_space<hbm>>
        %dma_start3A_476 = arith.constant 0 : i32
        %dma_start3A_477 = tpu.memref_slice %arg16[%add3A_455, %dma_start3A_476] : memref<128x64xf32, #tpu.memory_space<vmem>> -> memref<1x64xf32, #tpu.memory_space<vmem>>
        %dma_start3A_478 = arith.constant 0 : i32
        %dma_start3A_479 = tpu.memref_slice %arg6[%squeeze3A_449, %dma_start3A_478] : memref<1000001x64xf32, #tpu.memory_space<hbm>> -> memref<1x64xf32, #tpu.memory_space<hbm>>
        tpu.enqueue_dma source(%dma_start3A_479 : memref<1x64xf32, #tpu.memory_space<hbm>>) target(%dma_start3A_477 : memref<1x64xf32, #tpu.memory_space<vmem>>) target_semaphore(%arg18 : memref<!tpu.dma_semaphore, #tpu.memory_space<semaphore_mem>>)
        %dma_start3A_480 = arith.constant 0 : i32
        %dma_start3A_481 = tpu.memref_slice %arg17[%add3A_455, %dma_start3A_480] : memref<128x64xf32, #tpu.memory_space<vmem>> -> memref<1x64xf32, #tpu.memory_space<vmem>>
        %dma_start3A_482 = arith.constant 0 : i32
        %dma_start3A_483 = tpu.memref_slice %arg7[%squeeze3A_451, %dma_start3A_482] : memref<100001x64xf32, #tpu.memory_space<hbm>> -> memref<1x64xf32, #tpu.memory_space<hbm>>
        %dma_start3A_484 = arith.constant 0 : i32
        %dma_start3A_485 = tpu.memref_slice %arg17[%add3A_455, %dma_start3A_484] : memref<128x64xf32, #tpu.memory_space<vmem>> -> memref<1x64xf32, #tpu.memory_space<vmem>>
        %dma_start3A_486 = arith.constant 0 : i32
        %dma_start3A_487 = tpu.memref_slice %arg7[%squeeze3A_451, %dma_start3A_486] : memref<100001x64xf32, #tpu.memory_space<hbm>> -> memref<1x64xf32, #tpu.memory_space<hbm>>
        tpu.enqueue_dma source(%dma_start3A_487 : memref<1x64xf32, #tpu.memory_space<hbm>>) target(%dma_start3A_485 : memref<1x64xf32, #tpu.memory_space<vmem>>) target_semaphore(%arg18 : memref<!tpu.dma_semaphore, #tpu.memory_space<semaphore_mem>>)
        %slice3A_488 = vector.extract_strided_slice %get3A_44 {offsets = [11], sizes = [1], strides = [1]} : vector<16xi32> to vector<1xi32>
        %squeeze3A_489 = vector.extract %slice3A_488[0] : i32 from vector<1xi32>
        %slice3A_490 = vector.extract_strided_slice %get3A_50 {offsets = [11], sizes = [1], strides = [1]} : vector<16xi32> to vector<1xi32>
        %squeeze3A_491 = vector.extract %slice3A_490[0] : i32 from vector<1xi32>
        %mul3A_492 = arith.constant 16 : i32
        %mul3A_493 = arith.muli %add3A_39, %mul3A_492 : i32
        %add3A_494 = arith.constant 11 : i32
        %add3A_495 = arith.addi %mul3A_493, %add3A_494 : i32
        %dma_start3A_496 = arith.constant 0 : i32
        %dma_start3A_497 = tpu.memref_slice %arg14[%add3A_495, %dma_start3A_496] : memref<128x32xf32, #tpu.memory_space<vmem>> -> memref<1x32xf32, #tpu.memory_space<vmem>>
        %dma_start3A_498 = arith.constant 0 : i32
        %dma_start3A_499 = tpu.memref_slice %arg4[%squeeze3A_489, %dma_start3A_498] : memref<1000001x32xf32, #tpu.memory_space<hbm>> -> memref<1x32xf32, #tpu.memory_space<hbm>>
        %dma_start3A_500 = arith.constant 0 : i32
        %dma_start3A_501 = tpu.memref_slice %arg14[%add3A_495, %dma_start3A_500] : memref<128x32xf32, #tpu.memory_space<vmem>> -> memref<1x32xf32, #tpu.memory_space<vmem>>
        %dma_start3A_502 = arith.constant 0 : i32
        %dma_start3A_503 = tpu.memref_slice %arg4[%squeeze3A_489, %dma_start3A_502] : memref<1000001x32xf32, #tpu.memory_space<hbm>> -> memref<1x32xf32, #tpu.memory_space<hbm>>
        tpu.enqueue_dma source(%dma_start3A_503 : memref<1x32xf32, #tpu.memory_space<hbm>>) target(%dma_start3A_501 : memref<1x32xf32, #tpu.memory_space<vmem>>) target_semaphore(%arg18 : memref<!tpu.dma_semaphore, #tpu.memory_space<semaphore_mem>>)
        %dma_start3A_504 = arith.constant 0 : i32
        %dma_start3A_505 = tpu.memref_slice %arg15[%add3A_495, %dma_start3A_504] : memref<128x32xf32, #tpu.memory_space<vmem>> -> memref<1x32xf32, #tpu.memory_space<vmem>>
        %dma_start3A_506 = arith.constant 0 : i32
        %dma_start3A_507 = tpu.memref_slice %arg5[%squeeze3A_491, %dma_start3A_506] : memref<100001x32xf32, #tpu.memory_space<hbm>> -> memref<1x32xf32, #tpu.memory_space<hbm>>
        %dma_start3A_508 = arith.constant 0 : i32
        %dma_start3A_509 = tpu.memref_slice %arg15[%add3A_495, %dma_start3A_508] : memref<128x32xf32, #tpu.memory_space<vmem>> -> memref<1x32xf32, #tpu.memory_space<vmem>>
        %dma_start3A_510 = arith.constant 0 : i32
        %dma_start3A_511 = tpu.memref_slice %arg5[%squeeze3A_491, %dma_start3A_510] : memref<100001x32xf32, #tpu.memory_space<hbm>> -> memref<1x32xf32, #tpu.memory_space<hbm>>
        tpu.enqueue_dma source(%dma_start3A_511 : memref<1x32xf32, #tpu.memory_space<hbm>>) target(%dma_start3A_509 : memref<1x32xf32, #tpu.memory_space<vmem>>) target_semaphore(%arg18 : memref<!tpu.dma_semaphore, #tpu.memory_space<semaphore_mem>>)
        %dma_start3A_512 = arith.constant 0 : i32
        %dma_start3A_513 = tpu.memref_slice %arg16[%add3A_495, %dma_start3A_512] : memref<128x64xf32, #tpu.memory_space<vmem>> -> memref<1x64xf32, #tpu.memory_space<vmem>>
        %dma_start3A_514 = arith.constant 0 : i32
        %dma_start3A_515 = tpu.memref_slice %arg6[%squeeze3A_489, %dma_start3A_514] : memref<1000001x64xf32, #tpu.memory_space<hbm>> -> memref<1x64xf32, #tpu.memory_space<hbm>>
        %dma_start3A_516 = arith.constant 0 : i32
        %dma_start3A_517 = tpu.memref_slice %arg16[%add3A_495, %dma_start3A_516] : memref<128x64xf32, #tpu.memory_space<vmem>> -> memref<1x64xf32, #tpu.memory_space<vmem>>
        %dma_start3A_518 = arith.constant 0 : i32
        %dma_start3A_519 = tpu.memref_slice %arg6[%squeeze3A_489, %dma_start3A_518] : memref<1000001x64xf32, #tpu.memory_space<hbm>> -> memref<1x64xf32, #tpu.memory_space<hbm>>
        tpu.enqueue_dma source(%dma_start3A_519 : memref<1x64xf32, #tpu.memory_space<hbm>>) target(%dma_start3A_517 : memref<1x64xf32, #tpu.memory_space<vmem>>) target_semaphore(%arg18 : memref<!tpu.dma_semaphore, #tpu.memory_space<semaphore_mem>>)
        %dma_start3A_520 = arith.constant 0 : i32
        %dma_start3A_521 = tpu.memref_slice %arg17[%add3A_495, %dma_start3A_520] : memref<128x64xf32, #tpu.memory_space<vmem>> -> memref<1x64xf32, #tpu.memory_space<vmem>>
        %dma_start3A_522 = arith.constant 0 : i32
        %dma_start3A_523 = tpu.memref_slice %arg7[%squeeze3A_491, %dma_start3A_522] : memref<100001x64xf32, #tpu.memory_space<hbm>> -> memref<1x64xf32, #tpu.memory_space<hbm>>
        %dma_start3A_524 = arith.constant 0 : i32
        %dma_start3A_525 = tpu.memref_slice %arg17[%add3A_495, %dma_start3A_524] : memref<128x64xf32, #tpu.memory_space<vmem>> -> memref<1x64xf32, #tpu.memory_space<vmem>>
        %dma_start3A_526 = arith.constant 0 : i32
        %dma_start3A_527 = tpu.memref_slice %arg7[%squeeze3A_491, %dma_start3A_526] : memref<100001x64xf32, #tpu.memory_space<hbm>> -> memref<1x64xf32, #tpu.memory_space<hbm>>
        tpu.enqueue_dma source(%dma_start3A_527 : memref<1x64xf32, #tpu.memory_space<hbm>>) target(%dma_start3A_525 : memref<1x64xf32, #tpu.memory_space<vmem>>) target_semaphore(%arg18 : memref<!tpu.dma_semaphore, #tpu.memory_space<semaphore_mem>>)
        %slice3A_528 = vector.extract_strided_slice %get3A_44 {offsets = [12], sizes = [1], strides = [1]} : vector<16xi32> to vector<1xi32>
        %squeeze3A_529 = vector.extract %slice3A_528[0] : i32 from vector<1xi32>
        %slice3A_530 = vector.extract_strided_slice %get3A_50 {offsets = [12], sizes = [1], strides = [1]} : vector<16xi32> to vector<1xi32>
        %squeeze3A_531 = vector.extract %slice3A_530[0] : i32 from vector<1xi32>
        %mul3A_532 = arith.constant 16 : i32
        %mul3A_533 = arith.muli %add3A_39, %mul3A_532 : i32
        %add3A_534 = arith.constant 12 : i32
        %add3A_535 = arith.addi %mul3A_533, %add3A_534 : i32
        %dma_start3A_536 = arith.constant 0 : i32
        %dma_start3A_537 = tpu.memref_slice %arg14[%add3A_535, %dma_start3A_536] : memref<128x32xf32, #tpu.memory_space<vmem>> -> memref<1x32xf32, #tpu.memory_space<vmem>>
        %dma_start3A_538 = arith.constant 0 : i32
        %dma_start3A_539 = tpu.memref_slice %arg4[%squeeze3A_529, %dma_start3A_538] : memref<1000001x32xf32, #tpu.memory_space<hbm>> -> memref<1x32xf32, #tpu.memory_space<hbm>>
        %dma_start3A_540 = arith.constant 0 : i32
        %dma_start3A_541 = tpu.memref_slice %arg14[%add3A_535, %dma_start3A_540] : memref<128x32xf32, #tpu.memory_space<vmem>> -> memref<1x32xf32, #tpu.memory_space<vmem>>
        %dma_start3A_542 = arith.constant 0 : i32
        %dma_start3A_543 = tpu.memref_slice %arg4[%squeeze3A_529, %dma_start3A_542] : memref<1000001x32xf32, #tpu.memory_space<hbm>> -> memref<1x32xf32, #tpu.memory_space<hbm>>
        tpu.enqueue_dma source(%dma_start3A_543 : memref<1x32xf32, #tpu.memory_space<hbm>>) target(%dma_start3A_541 : memref<1x32xf32, #tpu.memory_space<vmem>>) target_semaphore(%arg18 : memref<!tpu.dma_semaphore, #tpu.memory_space<semaphore_mem>>)
        %dma_start3A_544 = arith.constant 0 : i32
        %dma_start3A_545 = tpu.memref_slice %arg15[%add3A_535, %dma_start3A_544] : memref<128x32xf32, #tpu.memory_space<vmem>> -> memref<1x32xf32, #tpu.memory_space<vmem>>
        %dma_start3A_546 = arith.constant 0 : i32
        %dma_start3A_547 = tpu.memref_slice %arg5[%squeeze3A_531, %dma_start3A_546] : memref<100001x32xf32, #tpu.memory_space<hbm>> -> memref<1x32xf32, #tpu.memory_space<hbm>>
        %dma_start3A_548 = arith.constant 0 : i32
        %dma_start3A_549 = tpu.memref_slice %arg15[%add3A_535, %dma_start3A_548] : memref<128x32xf32, #tpu.memory_space<vmem>> -> memref<1x32xf32, #tpu.memory_space<vmem>>
        %dma_start3A_550 = arith.constant 0 : i32
        %dma_start3A_551 = tpu.memref_slice %arg5[%squeeze3A_531, %dma_start3A_550] : memref<100001x32xf32, #tpu.memory_space<hbm>> -> memref<1x32xf32, #tpu.memory_space<hbm>>
        tpu.enqueue_dma source(%dma_start3A_551 : memref<1x32xf32, #tpu.memory_space<hbm>>) target(%dma_start3A_549 : memref<1x32xf32, #tpu.memory_space<vmem>>) target_semaphore(%arg18 : memref<!tpu.dma_semaphore, #tpu.memory_space<semaphore_mem>>)
        %dma_start3A_552 = arith.constant 0 : i32
        %dma_start3A_553 = tpu.memref_slice %arg16[%add3A_535, %dma_start3A_552] : memref<128x64xf32, #tpu.memory_space<vmem>> -> memref<1x64xf32, #tpu.memory_space<vmem>>
        %dma_start3A_554 = arith.constant 0 : i32
        %dma_start3A_555 = tpu.memref_slice %arg6[%squeeze3A_529, %dma_start3A_554] : memref<1000001x64xf32, #tpu.memory_space<hbm>> -> memref<1x64xf32, #tpu.memory_space<hbm>>
        %dma_start3A_556 = arith.constant 0 : i32
        %dma_start3A_557 = tpu.memref_slice %arg16[%add3A_535, %dma_start3A_556] : memref<128x64xf32, #tpu.memory_space<vmem>> -> memref<1x64xf32, #tpu.memory_space<vmem>>
        %dma_start3A_558 = arith.constant 0 : i32
        %dma_start3A_559 = tpu.memref_slice %arg6[%squeeze3A_529, %dma_start3A_558] : memref<1000001x64xf32, #tpu.memory_space<hbm>> -> memref<1x64xf32, #tpu.memory_space<hbm>>
        tpu.enqueue_dma source(%dma_start3A_559 : memref<1x64xf32, #tpu.memory_space<hbm>>) target(%dma_start3A_557 : memref<1x64xf32, #tpu.memory_space<vmem>>) target_semaphore(%arg18 : memref<!tpu.dma_semaphore, #tpu.memory_space<semaphore_mem>>)
        %dma_start3A_560 = arith.constant 0 : i32
        %dma_start3A_561 = tpu.memref_slice %arg17[%add3A_535, %dma_start3A_560] : memref<128x64xf32, #tpu.memory_space<vmem>> -> memref<1x64xf32, #tpu.memory_space<vmem>>
        %dma_start3A_562 = arith.constant 0 : i32
        %dma_start3A_563 = tpu.memref_slice %arg7[%squeeze3A_531, %dma_start3A_562] : memref<100001x64xf32, #tpu.memory_space<hbm>> -> memref<1x64xf32, #tpu.memory_space<hbm>>
        %dma_start3A_564 = arith.constant 0 : i32
        %dma_start3A_565 = tpu.memref_slice %arg17[%add3A_535, %dma_start3A_564] : memref<128x64xf32, #tpu.memory_space<vmem>> -> memref<1x64xf32, #tpu.memory_space<vmem>>
        %dma_start3A_566 = arith.constant 0 : i32
        %dma_start3A_567 = tpu.memref_slice %arg7[%squeeze3A_531, %dma_start3A_566] : memref<100001x64xf32, #tpu.memory_space<hbm>> -> memref<1x64xf32, #tpu.memory_space<hbm>>
        tpu.enqueue_dma source(%dma_start3A_567 : memref<1x64xf32, #tpu.memory_space<hbm>>) target(%dma_start3A_565 : memref<1x64xf32, #tpu.memory_space<vmem>>) target_semaphore(%arg18 : memref<!tpu.dma_semaphore, #tpu.memory_space<semaphore_mem>>)
        %slice3A_568 = vector.extract_strided_slice %get3A_44 {offsets = [13], sizes = [1], strides = [1]} : vector<16xi32> to vector<1xi32>
        %squeeze3A_569 = vector.extract %slice3A_568[0] : i32 from vector<1xi32>
        %slice3A_570 = vector.extract_strided_slice %get3A_50 {offsets = [13], sizes = [1], strides = [1]} : vector<16xi32> to vector<1xi32>
        %squeeze3A_571 = vector.extract %slice3A_570[0] : i32 from vector<1xi32>
        %mul3A_572 = arith.constant 16 : i32
        %mul3A_573 = arith.muli %add3A_39, %mul3A_572 : i32
        %add3A_574 = arith.constant 13 : i32
        %add3A_575 = arith.addi %mul3A_573, %add3A_574 : i32
        %dma_start3A_576 = arith.constant 0 : i32
        %dma_start3A_577 = tpu.memref_slice %arg14[%add3A_575, %dma_start3A_576] : memref<128x32xf32, #tpu.memory_space<vmem>> -> memref<1x32xf32, #tpu.memory_space<vmem>>
        %dma_start3A_578 = arith.constant 0 : i32
        %dma_start3A_579 = tpu.memref_slice %arg4[%squeeze3A_569, %dma_start3A_578] : memref<1000001x32xf32, #tpu.memory_space<hbm>> -> memref<1x32xf32, #tpu.memory_space<hbm>>
        %dma_start3A_580 = arith.constant 0 : i32
        %dma_start3A_581 = tpu.memref_slice %arg14[%add3A_575, %dma_start3A_580] : memref<128x32xf32, #tpu.memory_space<vmem>> -> memref<1x32xf32, #tpu.memory_space<vmem>>
        %dma_start3A_582 = arith.constant 0 : i32
        %dma_start3A_583 = tpu.memref_slice %arg4[%squeeze3A_569, %dma_start3A_582] : memref<1000001x32xf32, #tpu.memory_space<hbm>> -> memref<1x32xf32, #tpu.memory_space<hbm>>
        tpu.enqueue_dma source(%dma_start3A_583 : memref<1x32xf32, #tpu.memory_space<hbm>>) target(%dma_start3A_581 : memref<1x32xf32, #tpu.memory_space<vmem>>) target_semaphore(%arg18 : memref<!tpu.dma_semaphore, #tpu.memory_space<semaphore_mem>>)
        %dma_start3A_584 = arith.constant 0 : i32
        %dma_start3A_585 = tpu.memref_slice %arg15[%add3A_575, %dma_start3A_584] : memref<128x32xf32, #tpu.memory_space<vmem>> -> memref<1x32xf32, #tpu.memory_space<vmem>>
        %dma_start3A_586 = arith.constant 0 : i32
        %dma_start3A_587 = tpu.memref_slice %arg5[%squeeze3A_571, %dma_start3A_586] : memref<100001x32xf32, #tpu.memory_space<hbm>> -> memref<1x32xf32, #tpu.memory_space<hbm>>
        %dma_start3A_588 = arith.constant 0 : i32
        %dma_start3A_589 = tpu.memref_slice %arg15[%add3A_575, %dma_start3A_588] : memref<128x32xf32, #tpu.memory_space<vmem>> -> memref<1x32xf32, #tpu.memory_space<vmem>>
        %dma_start3A_590 = arith.constant 0 : i32
        %dma_start3A_591 = tpu.memref_slice %arg5[%squeeze3A_571, %dma_start3A_590] : memref<100001x32xf32, #tpu.memory_space<hbm>> -> memref<1x32xf32, #tpu.memory_space<hbm>>
        tpu.enqueue_dma source(%dma_start3A_591 : memref<1x32xf32, #tpu.memory_space<hbm>>) target(%dma_start3A_589 : memref<1x32xf32, #tpu.memory_space<vmem>>) target_semaphore(%arg18 : memref<!tpu.dma_semaphore, #tpu.memory_space<semaphore_mem>>)
        %dma_start3A_592 = arith.constant 0 : i32
        %dma_start3A_593 = tpu.memref_slice %arg16[%add3A_575, %dma_start3A_592] : memref<128x64xf32, #tpu.memory_space<vmem>> -> memref<1x64xf32, #tpu.memory_space<vmem>>
        %dma_start3A_594 = arith.constant 0 : i32
        %dma_start3A_595 = tpu.memref_slice %arg6[%squeeze3A_569, %dma_start3A_594] : memref<1000001x64xf32, #tpu.memory_space<hbm>> -> memref<1x64xf32, #tpu.memory_space<hbm>>
        %dma_start3A_596 = arith.constant 0 : i32
        %dma_start3A_597 = tpu.memref_slice %arg16[%add3A_575, %dma_start3A_596] : memref<128x64xf32, #tpu.memory_space<vmem>> -> memref<1x64xf32, #tpu.memory_space<vmem>>
        %dma_start3A_598 = arith.constant 0 : i32
        %dma_start3A_599 = tpu.memref_slice %arg6[%squeeze3A_569, %dma_start3A_598] : memref<1000001x64xf32, #tpu.memory_space<hbm>> -> memref<1x64xf32, #tpu.memory_space<hbm>>
        tpu.enqueue_dma source(%dma_start3A_599 : memref<1x64xf32, #tpu.memory_space<hbm>>) target(%dma_start3A_597 : memref<1x64xf32, #tpu.memory_space<vmem>>) target_semaphore(%arg18 : memref<!tpu.dma_semaphore, #tpu.memory_space<semaphore_mem>>)
        %dma_start3A_600 = arith.constant 0 : i32
        %dma_start3A_601 = tpu.memref_slice %arg17[%add3A_575, %dma_start3A_600] : memref<128x64xf32, #tpu.memory_space<vmem>> -> memref<1x64xf32, #tpu.memory_space<vmem>>
        %dma_start3A_602 = arith.constant 0 : i32
        %dma_start3A_603 = tpu.memref_slice %arg7[%squeeze3A_571, %dma_start3A_602] : memref<100001x64xf32, #tpu.memory_space<hbm>> -> memref<1x64xf32, #tpu.memory_space<hbm>>
        %dma_start3A_604 = arith.constant 0 : i32
        %dma_start3A_605 = tpu.memref_slice %arg17[%add3A_575, %dma_start3A_604] : memref<128x64xf32, #tpu.memory_space<vmem>> -> memref<1x64xf32, #tpu.memory_space<vmem>>
        %dma_start3A_606 = arith.constant 0 : i32
        %dma_start3A_607 = tpu.memref_slice %arg7[%squeeze3A_571, %dma_start3A_606] : memref<100001x64xf32, #tpu.memory_space<hbm>> -> memref<1x64xf32, #tpu.memory_space<hbm>>
        tpu.enqueue_dma source(%dma_start3A_607 : memref<1x64xf32, #tpu.memory_space<hbm>>) target(%dma_start3A_605 : memref<1x64xf32, #tpu.memory_space<vmem>>) target_semaphore(%arg18 : memref<!tpu.dma_semaphore, #tpu.memory_space<semaphore_mem>>)
        %slice3A_608 = vector.extract_strided_slice %get3A_44 {offsets = [14], sizes = [1], strides = [1]} : vector<16xi32> to vector<1xi32>
        %squeeze3A_609 = vector.extract %slice3A_608[0] : i32 from vector<1xi32>
        %slice3A_610 = vector.extract_strided_slice %get3A_50 {offsets = [14], sizes = [1], strides = [1]} : vector<16xi32> to vector<1xi32>
        %squeeze3A_611 = vector.extract %slice3A_610[0] : i32 from vector<1xi32>
        %mul3A_612 = arith.constant 16 : i32
        %mul3A_613 = arith.muli %add3A_39, %mul3A_612 : i32
        %add3A_614 = arith.constant 14 : i32
        %add3A_615 = arith.addi %mul3A_613, %add3A_614 : i32
        %dma_start3A_616 = arith.constant 0 : i32
        %dma_start3A_617 = tpu.memref_slice %arg14[%add3A_615, %dma_start3A_616] : memref<128x32xf32, #tpu.memory_space<vmem>> -> memref<1x32xf32, #tpu.memory_space<vmem>>
        %dma_start3A_618 = arith.constant 0 : i32
        %dma_start3A_619 = tpu.memref_slice %arg4[%squeeze3A_609, %dma_start3A_618] : memref<1000001x32xf32, #tpu.memory_space<hbm>> -> memref<1x32xf32, #tpu.memory_space<hbm>>
        %dma_start3A_620 = arith.constant 0 : i32
        %dma_start3A_621 = tpu.memref_slice %arg14[%add3A_615, %dma_start3A_620] : memref<128x32xf32, #tpu.memory_space<vmem>> -> memref<1x32xf32, #tpu.memory_space<vmem>>
        %dma_start3A_622 = arith.constant 0 : i32
        %dma_start3A_623 = tpu.memref_slice %arg4[%squeeze3A_609, %dma_start3A_622] : memref<1000001x32xf32, #tpu.memory_space<hbm>> -> memref<1x32xf32, #tpu.memory_space<hbm>>
        tpu.enqueue_dma source(%dma_start3A_623 : memref<1x32xf32, #tpu.memory_space<hbm>>) target(%dma_start3A_621 : memref<1x32xf32, #tpu.memory_space<vmem>>) target_semaphore(%arg18 : memref<!tpu.dma_semaphore, #tpu.memory_space<semaphore_mem>>)
        %dma_start3A_624 = arith.constant 0 : i32
        %dma_start3A_625 = tpu.memref_slice %arg15[%add3A_615, %dma_start3A_624] : memref<128x32xf32, #tpu.memory_space<vmem>> -> memref<1x32xf32, #tpu.memory_space<vmem>>
        %dma_start3A_626 = arith.constant 0 : i32
        %dma_start3A_627 = tpu.memref_slice %arg5[%squeeze3A_611, %dma_start3A_626] : memref<100001x32xf32, #tpu.memory_space<hbm>> -> memref<1x32xf32, #tpu.memory_space<hbm>>
        %dma_start3A_628 = arith.constant 0 : i32
        %dma_start3A_629 = tpu.memref_slice %arg15[%add3A_615, %dma_start3A_628] : memref<128x32xf32, #tpu.memory_space<vmem>> -> memref<1x32xf32, #tpu.memory_space<vmem>>
        %dma_start3A_630 = arith.constant 0 : i32
        %dma_start3A_631 = tpu.memref_slice %arg5[%squeeze3A_611, %dma_start3A_630] : memref<100001x32xf32, #tpu.memory_space<hbm>> -> memref<1x32xf32, #tpu.memory_space<hbm>>
        tpu.enqueue_dma source(%dma_start3A_631 : memref<1x32xf32, #tpu.memory_space<hbm>>) target(%dma_start3A_629 : memref<1x32xf32, #tpu.memory_space<vmem>>) target_semaphore(%arg18 : memref<!tpu.dma_semaphore, #tpu.memory_space<semaphore_mem>>)
        %dma_start3A_632 = arith.constant 0 : i32
        %dma_start3A_633 = tpu.memref_slice %arg16[%add3A_615, %dma_start3A_632] : memref<128x64xf32, #tpu.memory_space<vmem>> -> memref<1x64xf32, #tpu.memory_space<vmem>>
        %dma_start3A_634 = arith.constant 0 : i32
        %dma_start3A_635 = tpu.memref_slice %arg6[%squeeze3A_609, %dma_start3A_634] : memref<1000001x64xf32, #tpu.memory_space<hbm>> -> memref<1x64xf32, #tpu.memory_space<hbm>>
        %dma_start3A_636 = arith.constant 0 : i32
        %dma_start3A_637 = tpu.memref_slice %arg16[%add3A_615, %dma_start3A_636] : memref<128x64xf32, #tpu.memory_space<vmem>> -> memref<1x64xf32, #tpu.memory_space<vmem>>
        %dma_start3A_638 = arith.constant 0 : i32
        %dma_start3A_639 = tpu.memref_slice %arg6[%squeeze3A_609, %dma_start3A_638] : memref<1000001x64xf32, #tpu.memory_space<hbm>> -> memref<1x64xf32, #tpu.memory_space<hbm>>
        tpu.enqueue_dma source(%dma_start3A_639 : memref<1x64xf32, #tpu.memory_space<hbm>>) target(%dma_start3A_637 : memref<1x64xf32, #tpu.memory_space<vmem>>) target_semaphore(%arg18 : memref<!tpu.dma_semaphore, #tpu.memory_space<semaphore_mem>>)
        %dma_start3A_640 = arith.constant 0 : i32
        %dma_start3A_641 = tpu.memref_slice %arg17[%add3A_615, %dma_start3A_640] : memref<128x64xf32, #tpu.memory_space<vmem>> -> memref<1x64xf32, #tpu.memory_space<vmem>>
        %dma_start3A_642 = arith.constant 0 : i32
        %dma_start3A_643 = tpu.memref_slice %arg7[%squeeze3A_611, %dma_start3A_642] : memref<100001x64xf32, #tpu.memory_space<hbm>> -> memref<1x64xf32, #tpu.memory_space<hbm>>
        %dma_start3A_644 = arith.constant 0 : i32
        %dma_start3A_645 = tpu.memref_slice %arg17[%add3A_615, %dma_start3A_644] : memref<128x64xf32, #tpu.memory_space<vmem>> -> memref<1x64xf32, #tpu.memory_space<vmem>>
        %dma_start3A_646 = arith.constant 0 : i32
        %dma_start3A_647 = tpu.memref_slice %arg7[%squeeze3A_611, %dma_start3A_646] : memref<100001x64xf32, #tpu.memory_space<hbm>> -> memref<1x64xf32, #tpu.memory_space<hbm>>
        tpu.enqueue_dma source(%dma_start3A_647 : memref<1x64xf32, #tpu.memory_space<hbm>>) target(%dma_start3A_645 : memref<1x64xf32, #tpu.memory_space<vmem>>) target_semaphore(%arg18 : memref<!tpu.dma_semaphore, #tpu.memory_space<semaphore_mem>>)
        %slice3A_648 = vector.extract_strided_slice %get3A_44 {offsets = [15], sizes = [1], strides = [1]} : vector<16xi32> to vector<1xi32>
        %squeeze3A_649 = vector.extract %slice3A_648[0] : i32 from vector<1xi32>
        %slice3A_650 = vector.extract_strided_slice %get3A_50 {offsets = [15], sizes = [1], strides = [1]} : vector<16xi32> to vector<1xi32>
        %squeeze3A_651 = vector.extract %slice3A_650[0] : i32 from vector<1xi32>
        %mul3A_652 = arith.constant 16 : i32
        %mul3A_653 = arith.muli %add3A_39, %mul3A_652 : i32
        %add3A_654 = arith.constant 15 : i32
        %add3A_655 = arith.addi %mul3A_653, %add3A_654 : i32
        %dma_start3A_656 = arith.constant 0 : i32
        %dma_start3A_657 = tpu.memref_slice %arg14[%add3A_655, %dma_start3A_656] : memref<128x32xf32, #tpu.memory_space<vmem>> -> memref<1x32xf32, #tpu.memory_space<vmem>>
        %dma_start3A_658 = arith.constant 0 : i32
        %dma_start3A_659 = tpu.memref_slice %arg4[%squeeze3A_649, %dma_start3A_658] : memref<1000001x32xf32, #tpu.memory_space<hbm>> -> memref<1x32xf32, #tpu.memory_space<hbm>>
        %dma_start3A_660 = arith.constant 0 : i32
        %dma_start3A_661 = tpu.memref_slice %arg14[%add3A_655, %dma_start3A_660] : memref<128x32xf32, #tpu.memory_space<vmem>> -> memref<1x32xf32, #tpu.memory_space<vmem>>
        %dma_start3A_662 = arith.constant 0 : i32
        %dma_start3A_663 = tpu.memref_slice %arg4[%squeeze3A_649, %dma_start3A_662] : memref<1000001x32xf32, #tpu.memory_space<hbm>> -> memref<1x32xf32, #tpu.memory_space<hbm>>
        tpu.enqueue_dma source(%dma_start3A_663 : memref<1x32xf32, #tpu.memory_space<hbm>>) target(%dma_start3A_661 : memref<1x32xf32, #tpu.memory_space<vmem>>) target_semaphore(%arg18 : memref<!tpu.dma_semaphore, #tpu.memory_space<semaphore_mem>>)
        %dma_start3A_664 = arith.constant 0 : i32
        %dma_start3A_665 = tpu.memref_slice %arg15[%add3A_655, %dma_start3A_664] : memref<128x32xf32, #tpu.memory_space<vmem>> -> memref<1x32xf32, #tpu.memory_space<vmem>>
        %dma_start3A_666 = arith.constant 0 : i32
        %dma_start3A_667 = tpu.memref_slice %arg5[%squeeze3A_651, %dma_start3A_666] : memref<100001x32xf32, #tpu.memory_space<hbm>> -> memref<1x32xf32, #tpu.memory_space<hbm>>
        %dma_start3A_668 = arith.constant 0 : i32
        %dma_start3A_669 = tpu.memref_slice %arg15[%add3A_655, %dma_start3A_668] : memref<128x32xf32, #tpu.memory_space<vmem>> -> memref<1x32xf32, #tpu.memory_space<vmem>>
        %dma_start3A_670 = arith.constant 0 : i32
        %dma_start3A_671 = tpu.memref_slice %arg5[%squeeze3A_651, %dma_start3A_670] : memref<100001x32xf32, #tpu.memory_space<hbm>> -> memref<1x32xf32, #tpu.memory_space<hbm>>
        tpu.enqueue_dma source(%dma_start3A_671 : memref<1x32xf32, #tpu.memory_space<hbm>>) target(%dma_start3A_669 : memref<1x32xf32, #tpu.memory_space<vmem>>) target_semaphore(%arg18 : memref<!tpu.dma_semaphore, #tpu.memory_space<semaphore_mem>>)
        %dma_start3A_672 = arith.constant 0 : i32
        %dma_start3A_673 = tpu.memref_slice %arg16[%add3A_655, %dma_start3A_672] : memref<128x64xf32, #tpu.memory_space<vmem>> -> memref<1x64xf32, #tpu.memory_space<vmem>>
        %dma_start3A_674 = arith.constant 0 : i32
        %dma_start3A_675 = tpu.memref_slice %arg6[%squeeze3A_649, %dma_start3A_674] : memref<1000001x64xf32, #tpu.memory_space<hbm>> -> memref<1x64xf32, #tpu.memory_space<hbm>>
        %dma_start3A_676 = arith.constant 0 : i32
        %dma_start3A_677 = tpu.memref_slice %arg16[%add3A_655, %dma_start3A_676] : memref<128x64xf32, #tpu.memory_space<vmem>> -> memref<1x64xf32, #tpu.memory_space<vmem>>
        %dma_start3A_678 = arith.constant 0 : i32
        %dma_start3A_679 = tpu.memref_slice %arg6[%squeeze3A_649, %dma_start3A_678] : memref<1000001x64xf32, #tpu.memory_space<hbm>> -> memref<1x64xf32, #tpu.memory_space<hbm>>
        tpu.enqueue_dma source(%dma_start3A_679 : memref<1x64xf32, #tpu.memory_space<hbm>>) target(%dma_start3A_677 : memref<1x64xf32, #tpu.memory_space<vmem>>) target_semaphore(%arg18 : memref<!tpu.dma_semaphore, #tpu.memory_space<semaphore_mem>>)
        %dma_start3A_680 = arith.constant 0 : i32
        %dma_start3A_681 = tpu.memref_slice %arg17[%add3A_655, %dma_start3A_680] : memref<128x64xf32, #tpu.memory_space<vmem>> -> memref<1x64xf32, #tpu.memory_space<vmem>>
        %dma_start3A_682 = arith.constant 0 : i32
        %dma_start3A_683 = tpu.memref_slice %arg7[%squeeze3A_651, %dma_start3A_682] : memref<100001x64xf32, #tpu.memory_space<hbm>> -> memref<1x64xf32, #tpu.memory_space<hbm>>
        %dma_start3A_684 = arith.constant 0 : i32
        %dma_start3A_685 = tpu.memref_slice %arg17[%add3A_655, %dma_start3A_684] : memref<128x64xf32, #tpu.memory_space<vmem>> -> memref<1x64xf32, #tpu.memory_space<vmem>>
        %dma_start3A_686 = arith.constant 0 : i32
        %dma_start3A_687 = tpu.memref_slice %arg7[%squeeze3A_651, %dma_start3A_686] : memref<100001x64xf32, #tpu.memory_space<hbm>> -> memref<1x64xf32, #tpu.memory_space<hbm>>
        tpu.enqueue_dma source(%dma_start3A_687 : memref<1x64xf32, #tpu.memory_space<hbm>>) target(%dma_start3A_685 : memref<1x64xf32, #tpu.memory_space<vmem>>) target_semaphore(%arg18 : memref<!tpu.dma_semaphore, #tpu.memory_space<semaphore_mem>>)
      }
      %scan3A_18 = arith.constant 8 : i32
      %add3A_19 = arith.addi %mul3A_2, %mul3A_13 : i32
      %dma_wait3A = arith.constant 0 : i32
      %dma_wait3A_20 = tpu.memref_slice %arg8[%add3A_19, %dma_wait3A] : memref<16384x32xf32, #tpu.memory_space<hbm>> -> memref<128x32xf32, #tpu.memory_space<hbm>>
      %dma_wait3A_21 = arith.constant 0 : i32
      %dma_wait3A_22 = tpu.memref_slice %arg8[%add3A_19, %dma_wait3A_21] : memref<16384x32xf32, #tpu.memory_space<hbm>> -> memref<128x32xf32, #tpu.memory_space<hbm>>
      tpu.wait_dma2 semaphore(%arg18 : memref<!tpu.dma_semaphore, #tpu.memory_space<semaphore_mem>>) src(%dma_wait3A_22 : memref<128x32xf32, #tpu.memory_space<hbm>>) dst(%arg14 : memref<128x32xf32, #tpu.memory_space<vmem>>)
      %dma_wait3A_23 = arith.constant 0 : i32
      %dma_wait3A_24 = tpu.memref_slice %arg9[%add3A_19, %dma_wait3A_23] : memref<16384x32xf32, #tpu.memory_space<hbm>> -> memref<128x32xf32, #tpu.memory_space<hbm>>
      %dma_wait3A_25 = arith.constant 0 : i32
      %dma_wait3A_26 = tpu.memref_slice %arg9[%add3A_19, %dma_wait3A_25] : memref<16384x32xf32, #tpu.memory_space<hbm>> -> memref<128x32xf32, #tpu.memory_space<hbm>>
      tpu.wait_dma2 semaphore(%arg18 : memref<!tpu.dma_semaphore, #tpu.memory_space<semaphore_mem>>) src(%dma_wait3A_26 : memref<128x32xf32, #tpu.memory_space<hbm>>) dst(%arg15 : memref<128x32xf32, #tpu.memory_space<vmem>>)
      %dma_wait3A_27 = arith.constant 0 : i32
      %dma_wait3A_28 = tpu.memref_slice %arg10[%add3A_19, %dma_wait3A_27] : memref<16384x64xf32, #tpu.memory_space<hbm>> -> memref<128x64xf32, #tpu.memory_space<hbm>>
      %dma_wait3A_29 = arith.constant 0 : i32
      %dma_wait3A_30 = tpu.memref_slice %arg10[%add3A_19, %dma_wait3A_29] : memref<16384x64xf32, #tpu.memory_space<hbm>> -> memref<128x64xf32, #tpu.memory_space<hbm>>
      tpu.wait_dma2 semaphore(%arg18 : memref<!tpu.dma_semaphore, #tpu.memory_space<semaphore_mem>>) src(%dma_wait3A_30 : memref<128x64xf32, #tpu.memory_space<hbm>>) dst(%arg16 : memref<128x64xf32, #tpu.memory_space<vmem>>)
      %dma_wait3A_31 = arith.constant 0 : i32
      %dma_wait3A_32 = tpu.memref_slice %arg11[%add3A_19, %dma_wait3A_31] : memref<16384x64xf32, #tpu.memory_space<hbm>> -> memref<128x64xf32, #tpu.memory_space<hbm>>
      %dma_wait3A_33 = arith.constant 0 : i32
      %dma_wait3A_34 = tpu.memref_slice %arg11[%add3A_19, %dma_wait3A_33] : memref<16384x64xf32, #tpu.memory_space<hbm>> -> memref<128x64xf32, #tpu.memory_space<hbm>>
      tpu.wait_dma2 semaphore(%arg18 : memref<!tpu.dma_semaphore, #tpu.memory_space<semaphore_mem>>) src(%dma_wait3A_34 : memref<128x64xf32, #tpu.memory_space<hbm>>) dst(%arg17 : memref<128x64xf32, #tpu.memory_space<vmem>>)
      "tpu.region"() ({
        %run_scoped3A = tpu.sem_alloc : memref<!tpu.dma_semaphore, #tpu.memory_space<semaphore_mem>>
        %dma_start3A = arith.constant 0 : i32
        %dma_start3A_35 = tpu.memref_slice %arg8[%add3A_19, %dma_start3A] : memref<16384x32xf32, #tpu.memory_space<hbm>> -> memref<128x32xf32, #tpu.memory_space<hbm>>
        %dma_start3A_36 = arith.constant 0 : i32
        %dma_start3A_37 = tpu.memref_slice %arg8[%add3A_19, %dma_start3A_36] : memref<16384x32xf32, #tpu.memory_space<hbm>> -> memref<128x32xf32, #tpu.memory_space<hbm>>
        tpu.enqueue_dma source(%arg14 : memref<128x32xf32, #tpu.memory_space<vmem>>) target(%dma_start3A_37 : memref<128x32xf32, #tpu.memory_space<hbm>>) target_semaphore(%run_scoped3A : memref<!tpu.dma_semaphore, #tpu.memory_space<semaphore_mem>>)
        %dma_wait3A_38 = arith.constant 0 : i32
        %dma_wait3A_39 = tpu.memref_slice %arg8[%add3A_19, %dma_wait3A_38] : memref<16384x32xf32, #tpu.memory_space<hbm>> -> memref<128x32xf32, #tpu.memory_space<hbm>>
        %dma_wait3A_40 = arith.constant 0 : i32
        %dma_wait3A_41 = tpu.memref_slice %arg8[%add3A_19, %dma_wait3A_40] : memref<16384x32xf32, #tpu.memory_space<hbm>> -> memref<128x32xf32, #tpu.memory_space<hbm>>
        tpu.wait_dma2 semaphore(%run_scoped3A : memref<!tpu.dma_semaphore, #tpu.memory_space<semaphore_mem>>) src(%arg14 : memref<128x32xf32, #tpu.memory_space<vmem>>) dst(%dma_wait3A_41 : memref<128x32xf32, #tpu.memory_space<hbm>>)
        tpu.yield
      }) : () -> ()
      "tpu.region"() ({
        %run_scoped3A = tpu.sem_alloc : memref<!tpu.dma_semaphore, #tpu.memory_space<semaphore_mem>>
        %dma_start3A = arith.constant 0 : i32
        %dma_start3A_35 = tpu.memref_slice %arg9[%add3A_19, %dma_start3A] : memref<16384x32xf32, #tpu.memory_space<hbm>> -> memref<128x32xf32, #tpu.memory_space<hbm>>
        %dma_start3A_36 = arith.constant 0 : i32
        %dma_start3A_37 = tpu.memref_slice %arg9[%add3A_19, %dma_start3A_36] : memref<16384x32xf32, #tpu.memory_space<hbm>> -> memref<128x32xf32, #tpu.memory_space<hbm>>
        tpu.enqueue_dma source(%arg15 : memref<128x32xf32, #tpu.memory_space<vmem>>) target(%dma_start3A_37 : memref<128x32xf32, #tpu.memory_space<hbm>>) target_semaphore(%run_scoped3A : memref<!tpu.dma_semaphore, #tpu.memory_space<semaphore_mem>>)
        %dma_wait3A_38 = arith.constant 0 : i32
        %dma_wait3A_39 = tpu.memref_slice %arg9[%add3A_19, %dma_wait3A_38] : memref<16384x32xf32, #tpu.memory_space<hbm>> -> memref<128x32xf32, #tpu.memory_space<hbm>>
        %dma_wait3A_40 = arith.constant 0 : i32
        %dma_wait3A_41 = tpu.memref_slice %arg9[%add3A_19, %dma_wait3A_40] : memref<16384x32xf32, #tpu.memory_space<hbm>> -> memref<128x32xf32, #tpu.memory_space<hbm>>
        tpu.wait_dma2 semaphore(%run_scoped3A : memref<!tpu.dma_semaphore, #tpu.memory_space<semaphore_mem>>) src(%arg15 : memref<128x32xf32, #tpu.memory_space<vmem>>) dst(%dma_wait3A_41 : memref<128x32xf32, #tpu.memory_space<hbm>>)
        tpu.yield
      }) : () -> ()
      "tpu.region"() ({
        %run_scoped3A = tpu.sem_alloc : memref<!tpu.dma_semaphore, #tpu.memory_space<semaphore_mem>>
        %dma_start3A = arith.constant 0 : i32
        %dma_start3A_35 = tpu.memref_slice %arg10[%add3A_19, %dma_start3A] : memref<16384x64xf32, #tpu.memory_space<hbm>> -> memref<128x64xf32, #tpu.memory_space<hbm>>
        %dma_start3A_36 = arith.constant 0 : i32
        %dma_start3A_37 = tpu.memref_slice %arg10[%add3A_19, %dma_start3A_36] : memref<16384x64xf32, #tpu.memory_space<hbm>> -> memref<128x64xf32, #tpu.memory_space<hbm>>
        tpu.enqueue_dma source(%arg16 : memref<128x64xf32, #tpu.memory_space<vmem>>) target(%dma_start3A_37 : memref<128x64xf32, #tpu.memory_space<hbm>>) target_semaphore(%run_scoped3A : memref<!tpu.dma_semaphore, #tpu.memory_space<semaphore_mem>>)
        %dma_wait3A_38 = arith.constant 0 : i32
        %dma_wait3A_39 = tpu.memref_slice %arg10[%add3A_19, %dma_wait3A_38] : memref<16384x64xf32, #tpu.memory_space<hbm>> -> memref<128x64xf32, #tpu.memory_space<hbm>>
        %dma_wait3A_40 = arith.constant 0 : i32
        %dma_wait3A_41 = tpu.memref_slice %arg10[%add3A_19, %dma_wait3A_40] : memref<16384x64xf32, #tpu.memory_space<hbm>> -> memref<128x64xf32, #tpu.memory_space<hbm>>
        tpu.wait_dma2 semaphore(%run_scoped3A : memref<!tpu.dma_semaphore, #tpu.memory_space<semaphore_mem>>) src(%arg16 : memref<128x64xf32, #tpu.memory_space<vmem>>) dst(%dma_wait3A_41 : memref<128x64xf32, #tpu.memory_space<hbm>>)
        tpu.yield
      }) : () -> ()
      "tpu.region"() ({
        %run_scoped3A = tpu.sem_alloc : memref<!tpu.dma_semaphore, #tpu.memory_space<semaphore_mem>>
        %dma_start3A = arith.constant 0 : i32
        %dma_start3A_35 = tpu.memref_slice %arg11[%add3A_19, %dma_start3A] : memref<16384x64xf32, #tpu.memory_space<hbm>> -> memref<128x64xf32, #tpu.memory_space<hbm>>
        %dma_start3A_36 = arith.constant 0 : i32
        %dma_start3A_37 = tpu.memref_slice %arg11[%add3A_19, %dma_start3A_36] : memref<16384x64xf32, #tpu.memory_space<hbm>> -> memref<128x64xf32, #tpu.memory_space<hbm>>
        tpu.enqueue_dma source(%arg17 : memref<128x64xf32, #tpu.memory_space<vmem>>) target(%dma_start3A_37 : memref<128x64xf32, #tpu.memory_space<hbm>>) target_semaphore(%run_scoped3A : memref<!tpu.dma_semaphore, #tpu.memory_space<semaphore_mem>>)
        %dma_wait3A_38 = arith.constant 0 : i32
        %dma_wait3A_39 = tpu.memref_slice %arg11[%add3A_19, %dma_wait3A_38] : memref<16384x64xf32, #tpu.memory_space<hbm>> -> memref<128x64xf32, #tpu.memory_space<hbm>>
        %dma_wait3A_40 = arith.constant 0 : i32
        %dma_wait3A_41 = tpu.memref_slice %arg11[%add3A_19, %dma_wait3A_40] : memref<16384x64xf32, #tpu.memory_space<hbm>> -> memref<128x64xf32, #tpu.memory_space<hbm>>
        tpu.wait_dma2 semaphore(%run_scoped3A : memref<!tpu.dma_semaphore, #tpu.memory_space<semaphore_mem>>) src(%arg17 : memref<128x64xf32, #tpu.memory_space<vmem>>) dst(%dma_wait3A_41 : memref<128x64xf32, #tpu.memory_space<hbm>>)
        tpu.yield
      }) : () -> ()
    }
    %scan3A_6 = arith.constant 4 : i32
    return
  }
}

module attributes {stable_mosaic.version = 14 : i64} {
  func.func @_tc_body(%arg0: i32, %arg1: memref<2048x32xf32, #tpu.memory_space<vmem>>, %arg2: memref<2048x32xf32, #tpu.memory_space<vmem>>, %arg3: memref<2048x64xf32, #tpu.memory_space<vmem>>, %arg4: memref<2048x64xf32, #tpu.memory_space<vmem>>, %arg5: memref<128x64xf32, #tpu.memory_space<vmem>>, %arg6: memref<64x32xf32, #tpu.memory_space<vmem>>, %arg7: memref<9x64xf32, #tpu.memory_space<vmem>>, %arg8: memref<2048xf32, #tpu.memory_space<vmem>>) attributes {dimension_semantics = [#tpu.dimension_semantics<arbitrary>], iteration_bounds = array<i64: 8>, scalar_prefetch = 0 : i64, scratch_operands = 0 : i64, tpu.core_type = #tpu.core_type<tc>, window_params = [{transform_indices = @transform_0, window_bounds = array<i64: 2048, 32>}, {transform_indices = @transform_1, window_bounds = array<i64: 2048, 32>}, {transform_indices = @transform_2, window_bounds = array<i64: 2048, 64>}, {transform_indices = @transform_3, window_bounds = array<i64: 2048, 64>}, {pipeline_mode = #tpu.pipeline_mode<synchronous>, transform_indices = @transform_4, window_bounds = array<i64: 128, 64>}, {pipeline_mode = #tpu.pipeline_mode<synchronous>, transform_indices = @transform_5, window_bounds = array<i64: 64, 32>}, {pipeline_mode = #tpu.pipeline_mode<synchronous>, transform_indices = @transform_6, window_bounds = array<i64: 9, 64>}, {transform_indices = @transform_7, window_bounds = array<i64: 2048>}]} {
    %get3A = arith.constant 0 : index
    %get3A_0 = arith.constant 0 : index
    %get3A_1 = vector.load %arg5[%get3A, %get3A_0] : memref<128x64xf32, #tpu.memory_space<vmem>>, vector<128x64xf32>
    %get3A_2 = arith.constant 0 : index
    %get3A_3 = arith.constant 0 : index
    %get3A_4 = vector.load %arg3[%get3A_2, %get3A_3] : memref<2048x64xf32, #tpu.memory_space<vmem>>, vector<2048x64xf32>
    %slice3A = vector.extract_strided_slice %get3A_1 {offsets = [0, 0], sizes = [64, 64], strides = [1, 1]} : vector<128x64xf32> to vector<64x64xf32>
    %dot_general3A = arith.constant dense<0.000000e+00> : vector<2048x64xf32>
    %dot_general3A_5 = tpu.matmul %get3A_4, %slice3A, %dot_general3A {dimension_numbers = #tpu.dot_dimension_numbers<[1], [0], [0], [1], [0, 0, 1, 1], [], []>, transpose_lhs_hint = false} : vector<2048x64xf32>, vector<64x64xf32>, vector<2048x64xf32> -> vector<2048x64xf32>
    %get3A_6 = arith.constant 0 : index
    %get3A_7 = arith.constant 0 : index
    %get3A_8 = vector.load %arg4[%get3A_6, %get3A_7] : memref<2048x64xf32, #tpu.memory_space<vmem>>, vector<2048x64xf32>
    %slice3A_9 = vector.extract_strided_slice %get3A_1 {offsets = [64, 0], sizes = [64, 64], strides = [1, 1]} : vector<128x64xf32> to vector<64x64xf32>
    %dot_general3A_10 = arith.constant dense<0.000000e+00> : vector<2048x64xf32>
    %dot_general3A_11 = tpu.matmul %get3A_8, %slice3A_9, %dot_general3A_10 {dimension_numbers = #tpu.dot_dimension_numbers<[1], [0], [0], [1], [0, 0, 1, 1], [], []>, transpose_lhs_hint = false} : vector<2048x64xf32>, vector<64x64xf32>, vector<2048x64xf32> -> vector<2048x64xf32>
    %add3A = arith.addf %dot_general3A_5, %dot_general3A_11 : vector<2048x64xf32>
    %get3A_12 = arith.constant 0 : index
    %get3A_13 = arith.constant 0 : index
    %get3A_14 = vector.load %arg7[%get3A_12, %get3A_13] : memref<9x64xf32, #tpu.memory_space<vmem>>, vector<1x64xf32>
    %get3A_15 = vector.shape_cast %get3A_14 : vector<1x64xf32> to vector<64xf32>
    %broadcast_in_dim3A = vector.shape_cast %get3A_15 : vector<64xf32> to vector<1x64xf32>
    %add3A_16 = vector.broadcast %broadcast_in_dim3A : vector<1x64xf32> to vector<2048x64xf32>
    %add3A_17 = arith.addf %add3A, %add3A_16 : vector<2048x64xf32>
    %reduce_sum3A = arith.constant dense<0.000000e+00> : vector<2048xf32>
    %reduce_sum3A_18 = vector.multi_reduction <add>, %add3A_17, %reduce_sum3A [1] : vector<2048x64xf32> to vector<2048xf32>
    %broadcast_in_dim3A_19 = vector.shape_cast %reduce_sum3A_18 : vector<2048xf32> to vector<2048x1xf32>
    %div3A = arith.constant 6.400000e+01 : f32
    %div3A_20 = vector.broadcast %div3A : f32 to vector<2048x1xf32>
    %div3A_21 = arith.divf %broadcast_in_dim3A_19, %div3A_20 : vector<2048x1xf32>
    %sub3A = vector.broadcast %div3A_21 : vector<2048x1xf32> to vector<2048x64xf32>
    %sub3A_22 = arith.subf %add3A_17, %sub3A : vector<2048x64xf32>
    %sub3A_23 = vector.broadcast %div3A_21 : vector<2048x1xf32> to vector<2048x64xf32>
    %sub3A_24 = arith.subf %add3A_17, %sub3A_23 : vector<2048x64xf32>
    %mul3A = arith.mulf %sub3A_22, %sub3A_24 : vector<2048x64xf32>
    %reduce_sum3A_25 = arith.constant dense<0.000000e+00> : vector<2048xf32>
    %reduce_sum3A_26 = vector.multi_reduction <add>, %mul3A, %reduce_sum3A_25 [1] : vector<2048x64xf32> to vector<2048xf32>
    %broadcast_in_dim3A_27 = vector.shape_cast %reduce_sum3A_26 : vector<2048xf32> to vector<2048x1xf32>
    %div3A_28 = arith.constant 6.400000e+01 : f32
    %div3A_29 = vector.broadcast %div3A_28 : f32 to vector<2048x1xf32>
    %div3A_30 = arith.divf %broadcast_in_dim3A_27, %div3A_29 : vector<2048x1xf32>
    %sub3A_31 = vector.broadcast %div3A_21 : vector<2048x1xf32> to vector<2048x64xf32>
    %sub3A_32 = arith.subf %add3A_17, %sub3A_31 : vector<2048x64xf32>
    %add3A_33 = arith.constant 9.99999974E-6 : f32
    %add3A_34 = vector.broadcast %add3A_33 : f32 to vector<2048x1xf32>
    %add3A_35 = arith.addf %div3A_30, %add3A_34 : vector<2048x1xf32>
    %rsqrt3A = math.rsqrt %add3A_35 : vector<2048x1xf32>
    %mul3A_36 = vector.broadcast %rsqrt3A : vector<2048x1xf32> to vector<2048x64xf32>
    %mul3A_37 = arith.mulf %sub3A_32, %mul3A_36 : vector<2048x64xf32>
    %get3A_38 = arith.constant 1 : index
    %get3A_39 = arith.constant 0 : index
    %get3A_40 = vector.load %arg7[%get3A_38, %get3A_39] : memref<9x64xf32, #tpu.memory_space<vmem>>, vector<1x64xf32>
    %get3A_41 = vector.shape_cast %get3A_40 : vector<1x64xf32> to vector<64xf32>
    %broadcast_in_dim3A_42 = vector.shape_cast %get3A_41 : vector<64xf32> to vector<1x64xf32>
    %mul3A_43 = vector.broadcast %broadcast_in_dim3A_42 : vector<1x64xf32> to vector<2048x64xf32>
    %mul3A_44 = arith.mulf %mul3A_37, %mul3A_43 : vector<2048x64xf32>
    %get3A_45 = arith.constant 2 : index
    %get3A_46 = arith.constant 0 : index
    %get3A_47 = vector.load %arg7[%get3A_45, %get3A_46] : memref<9x64xf32, #tpu.memory_space<vmem>>, vector<1x64xf32>
    %get3A_48 = vector.shape_cast %get3A_47 : vector<1x64xf32> to vector<64xf32>
    %broadcast_in_dim3A_49 = vector.shape_cast %get3A_48 : vector<64xf32> to vector<1x64xf32>
    %add3A_50 = vector.broadcast %broadcast_in_dim3A_49 : vector<1x64xf32> to vector<2048x64xf32>
    %add3A_51 = arith.addf %mul3A_44, %add3A_50 : vector<2048x64xf32>
    %max3A = arith.constant 0.000000e+00 : f32
    %max3A_52 = vector.broadcast %max3A : f32 to vector<2048x64xf32>
    %max3A_53 = arith.maximumf %add3A_51, %max3A_52 : vector<2048x64xf32>
    %get3A_54 = arith.constant 0 : index
    %get3A_55 = arith.constant 0 : index
    %get3A_56 = vector.load %arg6[%get3A_54, %get3A_55] : memref<64x32xf32, #tpu.memory_space<vmem>>, vector<64x32xf32>
    %dot_general3A_57 = arith.constant dense<0.000000e+00> : vector<2048x32xf32>
    %dot_general3A_58 = tpu.matmul %max3A_53, %get3A_56, %dot_general3A_57 {dimension_numbers = #tpu.dot_dimension_numbers<[1], [0], [0], [1], [0, 0, 1, 1], [], []>, transpose_lhs_hint = false} : vector<2048x64xf32>, vector<64x32xf32>, vector<2048x32xf32> -> vector<2048x32xf32>
    %get3A_59 = arith.constant 3 : index
    %get3A_60 = arith.constant 0 : index
    %get3A_61 = vector.load %arg7[%get3A_59, %get3A_60] : memref<9x64xf32, #tpu.memory_space<vmem>>, vector<1x32xf32>
    %get3A_62 = vector.shape_cast %get3A_61 : vector<1x32xf32> to vector<32xf32>
    %broadcast_in_dim3A_63 = vector.shape_cast %get3A_62 : vector<32xf32> to vector<1x32xf32>
    %add3A_64 = vector.broadcast %broadcast_in_dim3A_63 : vector<1x32xf32> to vector<2048x32xf32>
    %add3A_65 = arith.addf %dot_general3A_58, %add3A_64 : vector<2048x32xf32>
    %reduce_sum3A_66 = arith.constant dense<0.000000e+00> : vector<2048xf32>
    %reduce_sum3A_67 = vector.multi_reduction <add>, %add3A_65, %reduce_sum3A_66 [1] : vector<2048x32xf32> to vector<2048xf32>
    %broadcast_in_dim3A_68 = vector.shape_cast %reduce_sum3A_67 : vector<2048xf32> to vector<2048x1xf32>
    %div3A_69 = arith.constant 3.200000e+01 : f32
    %div3A_70 = vector.broadcast %div3A_69 : f32 to vector<2048x1xf32>
    %div3A_71 = arith.divf %broadcast_in_dim3A_68, %div3A_70 : vector<2048x1xf32>
    %sub3A_72 = vector.broadcast %div3A_71 : vector<2048x1xf32> to vector<2048x32xf32>
    %sub3A_73 = arith.subf %add3A_65, %sub3A_72 : vector<2048x32xf32>
    %sub3A_74 = vector.broadcast %div3A_71 : vector<2048x1xf32> to vector<2048x32xf32>
    %sub3A_75 = arith.subf %add3A_65, %sub3A_74 : vector<2048x32xf32>
    %mul3A_76 = arith.mulf %sub3A_73, %sub3A_75 : vector<2048x32xf32>
    %reduce_sum3A_77 = arith.constant dense<0.000000e+00> : vector<2048xf32>
    %reduce_sum3A_78 = vector.multi_reduction <add>, %mul3A_76, %reduce_sum3A_77 [1] : vector<2048x32xf32> to vector<2048xf32>
    %broadcast_in_dim3A_79 = vector.shape_cast %reduce_sum3A_78 : vector<2048xf32> to vector<2048x1xf32>
    %div3A_80 = arith.constant 3.200000e+01 : f32
    %div3A_81 = vector.broadcast %div3A_80 : f32 to vector<2048x1xf32>
    %div3A_82 = arith.divf %broadcast_in_dim3A_79, %div3A_81 : vector<2048x1xf32>
    %sub3A_83 = vector.broadcast %div3A_71 : vector<2048x1xf32> to vector<2048x32xf32>
    %sub3A_84 = arith.subf %add3A_65, %sub3A_83 : vector<2048x32xf32>
    %add3A_85 = arith.constant 9.99999974E-6 : f32
    %add3A_86 = vector.broadcast %add3A_85 : f32 to vector<2048x1xf32>
    %add3A_87 = arith.addf %div3A_82, %add3A_86 : vector<2048x1xf32>
    %rsqrt3A_88 = math.rsqrt %add3A_87 : vector<2048x1xf32>
    %mul3A_89 = vector.broadcast %rsqrt3A_88 : vector<2048x1xf32> to vector<2048x32xf32>
    %mul3A_90 = arith.mulf %sub3A_84, %mul3A_89 : vector<2048x32xf32>
    %get3A_91 = arith.constant 4 : index
    %get3A_92 = arith.constant 0 : index
    %get3A_93 = vector.load %arg7[%get3A_91, %get3A_92] : memref<9x64xf32, #tpu.memory_space<vmem>>, vector<1x32xf32>
    %get3A_94 = vector.shape_cast %get3A_93 : vector<1x32xf32> to vector<32xf32>
    %broadcast_in_dim3A_95 = vector.shape_cast %get3A_94 : vector<32xf32> to vector<1x32xf32>
    %mul3A_96 = vector.broadcast %broadcast_in_dim3A_95 : vector<1x32xf32> to vector<2048x32xf32>
    %mul3A_97 = arith.mulf %mul3A_90, %mul3A_96 : vector<2048x32xf32>
    %get3A_98 = arith.constant 5 : index
    %get3A_99 = arith.constant 0 : index
    %get3A_100 = vector.load %arg7[%get3A_98, %get3A_99] : memref<9x64xf32, #tpu.memory_space<vmem>>, vector<1x32xf32>
    %get3A_101 = vector.shape_cast %get3A_100 : vector<1x32xf32> to vector<32xf32>
    %broadcast_in_dim3A_102 = vector.shape_cast %get3A_101 : vector<32xf32> to vector<1x32xf32>
    %add3A_103 = vector.broadcast %broadcast_in_dim3A_102 : vector<1x32xf32> to vector<2048x32xf32>
    %add3A_104 = arith.addf %mul3A_97, %add3A_103 : vector<2048x32xf32>
    %max3A_105 = arith.constant 0.000000e+00 : f32
    %max3A_106 = vector.broadcast %max3A_105 : f32 to vector<2048x32xf32>
    %max3A_107 = arith.maximumf %add3A_104, %max3A_106 : vector<2048x32xf32>
    %get3A_108 = arith.constant 0 : index
    %get3A_109 = arith.constant 0 : index
    %get3A_110 = vector.load %arg1[%get3A_108, %get3A_109] : memref<2048x32xf32, #tpu.memory_space<vmem>>, vector<2048x32xf32>
    %get3A_111 = arith.constant 0 : index
    %get3A_112 = arith.constant 0 : index
    %get3A_113 = vector.load %arg2[%get3A_111, %get3A_112] : memref<2048x32xf32, #tpu.memory_space<vmem>>, vector<2048x32xf32>
    %mul3A_114 = arith.mulf %get3A_110, %get3A_113 : vector<2048x32xf32>
    %get3A_115 = arith.constant 6 : index
    %get3A_116 = arith.constant 0 : index
    %get3A_117 = vector.load %arg7[%get3A_115, %get3A_116] : memref<9x64xf32, #tpu.memory_space<vmem>>, vector<1x32xf32>
    %get3A_118 = vector.shape_cast %get3A_117 : vector<1x32xf32> to vector<32xf32>
    %broadcast_in_dim3A_119 = vector.shape_cast %get3A_118 : vector<32xf32> to vector<1x32xf32>
    %mul3A_120 = vector.broadcast %broadcast_in_dim3A_119 : vector<1x32xf32> to vector<2048x32xf32>
    %mul3A_121 = arith.mulf %mul3A_114, %mul3A_120 : vector<2048x32xf32>
    %reduce_sum3A_122 = arith.constant dense<0.000000e+00> : vector<2048xf32>
    %reduce_sum3A_123 = vector.multi_reduction <add>, %mul3A_121, %reduce_sum3A_122 [1] : vector<2048x32xf32> to vector<2048xf32>
    %get3A_124 = arith.constant 7 : index
    %get3A_125 = arith.constant 0 : index
    %get3A_126 = vector.load %arg7[%get3A_124, %get3A_125] : memref<9x64xf32, #tpu.memory_space<vmem>>, vector<1x32xf32>
    %get3A_127 = vector.shape_cast %get3A_126 : vector<1x32xf32> to vector<32xf32>
    %broadcast_in_dim3A_128 = vector.shape_cast %get3A_127 : vector<32xf32> to vector<1x32xf32>
    %mul3A_129 = vector.broadcast %broadcast_in_dim3A_128 : vector<1x32xf32> to vector<2048x32xf32>
    %mul3A_130 = arith.mulf %max3A_107, %mul3A_129 : vector<2048x32xf32>
    %reduce_sum3A_131 = arith.constant dense<0.000000e+00> : vector<2048xf32>
    %reduce_sum3A_132 = vector.multi_reduction <add>, %mul3A_130, %reduce_sum3A_131 [1] : vector<2048x32xf32> to vector<2048xf32>
    %add3A_133 = arith.addf %reduce_sum3A_123, %reduce_sum3A_132 : vector<2048xf32>
    %get3A_134 = arith.constant 8 : index
    %get3A_135 = arith.constant 0 : index
    %get3A_136 = vector.load %arg7[%get3A_134, %get3A_135] : memref<9x64xf32, #tpu.memory_space<vmem>>, vector<1x1xf32>
    %get3A_137 = vector.shape_cast %get3A_136 : vector<1x1xf32> to vector<1xf32>
    %add3A_138 = vector.broadcast %get3A_137 : vector<1xf32> to vector<2048xf32>
    %add3A_139 = arith.addf %add3A_133, %add3A_138 : vector<2048xf32>
    %swap3A = arith.constant 0 : index
    %swap3A_140 = vector.load %arg8[%swap3A] : memref<2048xf32, #tpu.memory_space<vmem>>, vector<2048xf32>
    tpu.vector_store %arg8[%swap3A], %add3A_139 {strides = array<i32>} : memref<2048xf32, #tpu.memory_space<vmem>>, vector<2048xf32>,
    return
  }
  func.func @transform_0(%arg0: i32) -> (i32, i32) {
    %c0_i32 = arith.constant 0 : i32
    %c0_i32_0 = arith.constant 0 : i32
    return %arg0, %c0_i32 : i32, i32
  }
  func.func @transform_1(%arg0: i32) -> (i32, i32) {
    %c0_i32 = arith.constant 0 : i32
    %c0_i32_0 = arith.constant 0 : i32
    return %arg0, %c0_i32 : i32, i32
  }
  func.func @transform_2(%arg0: i32) -> (i32, i32) {
    %c0_i32 = arith.constant 0 : i32
    %c0_i32_0 = arith.constant 0 : i32
    return %arg0, %c0_i32 : i32, i32
  }
  func.func @transform_3(%arg0: i32) -> (i32, i32) {
    %c0_i32 = arith.constant 0 : i32
    %c0_i32_0 = arith.constant 0 : i32
    return %arg0, %c0_i32 : i32, i32
  }
  func.func @transform_4(%arg0: i32) -> (i32, i32) {
    %c0_i32 = arith.constant 0 : i32
    %c0_i32_0 = arith.constant 0 : i32
    %c0_i32_1 = arith.constant 0 : i32
    return %c0_i32, %c0_i32_0 : i32, i32
  }
  func.func @transform_5(%arg0: i32) -> (i32, i32) {
    %c0_i32 = arith.constant 0 : i32
    %c0_i32_0 = arith.constant 0 : i32
    %c0_i32_1 = arith.constant 0 : i32
    return %c0_i32, %c0_i32_0 : i32, i32
  }
  func.func @transform_6(%arg0: i32) -> (i32, i32) {
    %c0_i32 = arith.constant 0 : i32
    %c0_i32_0 = arith.constant 0 : i32
    %c0_i32_1 = arith.constant 0 : i32
    return %c0_i32, %c0_i32_0 : i32, i32
  }
  func.func @transform_7(%arg0: i32) -> i32 {
    %c0_i32 = arith.constant 0 : i32
    return %arg0 : i32
  }
}

</mosaic_0001>

<sc_bundles>
// kernel: kernel.4.cloned.1.call-start
scs
__scs_entry_jumppad:
0x0: {  	(pc) =	sbr.rel $0x88, $3  }
0x1: {  	(tag) =	ssettag $0x0;
	lr =	simm.s32 $0x1  }
0x2: {  	[smem:$0x3F91] =	sst lr;
	_ =	strace $0xD0000000  }
0x3: {  	_ = 	snop  }
0x4: {  	_ = 	snop  }
0x5: {  	_ = 	snop  }
0x6: {  	_ = 	snop  }
0x7: {  	_ = 	snop  }
__scs_overlays_trampoline_lowered:
0x8: {  	[smem:$0x3FA0] =	sst s0  }
0x9: {  	[smem:$0x3FA1] =	sst s1  }
0xa: {  	[smem:$0x3FA2] =	sst s2  }
0xb: {  	[smem:$0x3FA3] =	sst s3  }
0xc: {  	[smem:$0x3FA4] =	sst s4  }
0xd: {  	[smem:$0x3FA5] =	sst s5  }
0xe: {  	[smem:$0x3FA6] =	sst s6  }
0xf: {  	[smem:$0x3FA7] =	sst s7  }
0x10: {  	[smem:$0x3FA8] =	sst s8  }
0x11: {  	[smem:$0x3FA9] =	sst s9;
	s0 =	simm.s32 @!p0 $0x0  }
0x12: {  	s1 =	sld [smem:$0x3F8F];
	s0 =	simm.s32 @p0 $0x1  }
0x13: {  	[smem:$0x3FAA] =	sst s0;
	s0 =	simm.s32 @!p1 $0x0  }
0x14: {  	s2 =	sld [smem:$0x3F8E];
	s0 =	simm.s32 @p1 $0x1  }
0x15: {  	[smem:$0x3FAB] =	sst s0;
	s0 =	simm.s32 @!p2 $0x0  }
0x16: {  	s3 =	sld [smem:$0x3FDB];
	s0 =	simm.s32 @p2 $0x1  }
0x17: {  	s4 =	simm.s32 $0x1BF5;
	[smem:$0x3FAD] =	sst s0  }
0x18: {  	s0 =	sld [smem:$0x3F90];
	_ =	swait.ge [sflag:s4], $0x0  }
0x19: {  	s7 =	sld [smem:$0x3F91]  }
0x1a: {  	s8 =	sadd.s32 $0xFFFFE003, lr  }
0x1b: {  	s9 =	sadd.s32 $0xFFFFFEF7, lr;
	s5 =	simm.s32 $0xFFFFFFFF;
	p2 =	slt.u32 s8, $0xFFFFF086  }
0x1c: {  	p1 =	slt.u32 s9, $0xF7A;
	s5 =	simm.s32 @!p2 $0x0  }
0x1d: {  	s5 =	simm.s32 @p1 $0x1;
	p0 =	seq.s32 s7, s2  }
0x1e: {  	s7 =	smul.u32 @!p0 $0xF7A, s2;
	p2 =	seq.s32 @!p0 s5, $0x0  }
0x1f: {  	s9 =	smul.u32 $0xF7A, s1;
	s8 =	simm.s32 @!p0 $0x1BF5;
	p2 =	por !p2, p0  }
0x20: {  	[sflag:s8] =	ssyncset.s32 @!p0 $0xFFFFF086;
	s6 =	sadd.s32 @!p0 s3, s7;
	s7 =	simm.s32 @!p0 $0x108  }
0x21: {  	s3 =	sadd.s32 s3, s9;
	s6 =	sadd.s32 @!p0 $0x88, s6;
	s7 =	simm.s32 @p2 $0x1082  }
0x22: {  	[simem:s7], [sflag:s8] =	dma.local @!p0 [hbm:s6], $0xF7A  }
0x23: {  	s9 =	sor.u32 $0xD0000000, s2;
	s6 =	simm.s32 $0x108;
	_ =	swait.ge @!p0 [sflag:s8], $0x0  }
0x24: {  	s3 =	sadd.s32 $0x88, s3;
	s6 =	simm.s32 @!p1 $0x1082;
	[sflag:s4] =	ssyncset.s32 $0xFFFFF086  }
0x25: {  	[simem:s6], [sflag:s4] =	dma.local [hbm:s3], $0xF7A  }
0x26: {  	[smem:$0x3F91] =	sst s1;
	(tag) =	ssettag s2;
	_ =	strace s9  }
0x27: {  	s1 =	sld [smem:$0x3FA1]  }
0x28: {  	s2 =	sld [smem:$0x3FA2]  }
0x29: {  	s4 =	sld [smem:$0x3FA4]  }
0x2a: {  	p0 =	seq.s32 s5, $0x0;
	s5 =	sld [smem:$0x3FA5]  }
0x2b: {  	s6 =	sld [smem:$0x3FA6]  }
0x2c: {  	s7 =	sld [smem:$0x3FA7]  }
0x2d: {  	s3 =	simm.s32 $0x108;
	s8 =	sld [smem:$0x3FA8]  }
0x2e: {  	s3 =	simm.s32 @!p0 $0x1082;
	s9 =	sld [smem:$0x3FA9]  }
0x2f: {  	lr =	sadd.s32 s0, s3;
	s0 =	sld [smem:$0x3FA0]  }
0x30: {  	s3 =	sld [smem:$0x3FA3]  }
0x31: {  	[smem:$0x3FAC] =	sst s10  }
0x32: {  	s10 =	sld [smem:$0x3FAA];
	_ =	sdelay $0x3  }
0x33: {  	p0 =	seq.s32 s10, $0x1;
	s10 =	sld [smem:$0x3FAC];
	_ =	sdelay $0x3  }
0x34: {  	[smem:$0x3FAC] =	sst s10  }
0x35: {  	s10 =	sld [smem:$0x3FAB];
	_ =	sdelay $0x3  }
0x36: {  	p1 =	seq.s32 s10, $0x1;
	s10 =	sld [smem:$0x3FAC];
	_ =	sdelay $0x3  }
0x37: {  	[smem:$0x3FAC] =	sst s10  }
0x38: {  	s10 =	sld [smem:$0x3FAD]  }
0x39: {  	_ = 	snop;
	(pc) =	sbr.ind lr, $3  }
0x3a: {  	_ = 	snop  }
0x3b: {  	_ = 	snop  }
0x3c: {  	p2 =	seq.s32 s10, $0x1;
	s10 =	sld [smem:$0x3FAC]  }
0x3d: {  	_ =	shalt  }
0x3e: {  	_ =	shalt  }
0x3f: {  	_ =	shalt  }
0x40: {  	_ =	shalt  }
0x41: {  	_ =	shalt  }
0x42: {  	_ =	shalt  }
0x43: {  	_ =	shalt  }
0x44: {  	_ =	shalt  }
0x45: {  	_ =	shalt  }
0x46: {  	_ =	shalt  }
0x47: {  	_ =	shalt  }
0x48: {  	_ =	shalt  }
0x49: {  	_ =	shalt  }
0x4a: {  	_ =	shalt  }
0x4b: {  	_ =	shalt  }
0x4c: {  	_ =	shalt  }
0x4d: {  	_ =	shalt  }
0x4e: {  	_ =	shalt  }
0x4f: {  	_ =	shalt  }
0x50: {  	_ =	shalt  }
0x51: {  	_ =	shalt  }
0x52: {  	_ =	shalt  }
0x53: {  	_ =	shalt  }
0x54: {  	_ =	shalt  }
0x55: {  	_ =	shalt  }
0x56: {  	_ =	shalt  }
0x57: {  	_ =	shalt  }
0x58: {  	_ =	shalt  }
0x59: {  	_ =	shalt  }
0x5a: {  	_ =	shalt  }
0x5b: {  	_ =	shalt  }
0x5c: {  	_ =	shalt  }
0x5d: {  	_ =	shalt  }
0x5e: {  	_ =	shalt  }
0x5f: {  	_ =	shalt  }
0x60: {  	_ =	shalt  }
0x61: {  	_ =	shalt  }
0x62: {  	_ =	shalt  }
0x63: {  	_ =	shalt  }
0x64: {  	_ =	shalt  }
0x65: {  	_ =	shalt  }
0x66: {  	_ =	shalt  }
0x67: {  	_ =	shalt  }
0x68: {  	_ =	shalt  }
0x69: {  	_ =	shalt  }
0x6a: {  	_ =	shalt  }
0x6b: {  	_ =	shalt  }
0x6c: {  	_ =	shalt  }
0x6d: {  	_ =	shalt  }
0x6e: {  	_ =	shalt  }
0x6f: {  	_ =	shalt  }
0x70: {  	_ =	shalt  }
0x71: {  	_ =	shalt  }
0x72: {  	_ =	shalt  }
0x73: {  	_ =	shalt  }
0x74: {  	_ =	shalt  }
0x75: {  	_ =	shalt  }
0x76: {  	_ =	shalt  }
0x77: {  	_ =	shalt  }
0x78: {  	_ =	shalt  }
0x79: {  	_ =	shalt  }
0x7a: {  	_ =	shalt  }
0x7b: {  	_ =	shalt  }
0x7c: {  	_ =	shalt  }
0x7d: {  	_ =	shalt  }
0x7e: {  	_ =	shalt  }
0x7f: {  	_ =	shalt  }
0x80: {  	_ =	shalt  }
0x81: {  	_ =	shalt  }
0x82: {  	_ =	shalt  }
0x83: {  	_ =	shalt  }
0x84: {  	_ =	shalt  }
0x85: {  	_ =	shalt  }
0x86: {  	_ =	shalt  }
0x87: {  	_ =	shalt  }
.Lfunc_end0:
.L_simem_size_0:
called_computation_lowered:
.L_overlay_start_0:
0x88: {  	s2 =	sld [smem:$0x3FD9]  }
0x89: {  	s3 =	sld [smem:$0x3FFE];
	_ =	sdelay $0x1  }
0x8a: {  	s1 =	srdreg.scid  }
0x8b: {  	s0 =	sand.u32 $0x1, s1  }
0x8c: {  	s17 =	sshll.u32 s0, $0xA;
	s2 =	sadd.s32 s3, s2  }
0x8d: {  	s2 =	sadd.s32 s2, s17  }
0x8e: {  	[smem:$0x3FB8] =	sst s2  }
0x8f: {  	_ = 	snop  }
0x90: {  	s2 =	sld [smem:$0x3FC9]  }
0x91: {  	s18 =	sld [smem:$0x3FC8];
	(tm) =	ssettm $0x1  }
0x92: {  	s4 =	sld [smem:$0x3FFB];
	_ =	sdelay $0x3  }
0x93: {  	_ =	strace s4  }
0x94: {  	s4 =	sld [smem:$0x3FFC];
	_ =	sdelay $0x3  }
0x95: {  	_ =	strace s4  }
0x96: {  	s4 =	sld [smem:$0x3FFD];
	_ =	sdelay $0x3  }
0x97: {  	_ =	strace s4  }
0x98: {  	_ =	strace $0x8FFFFFFF  }
0x99: {  	s19 =	sld [smem:$0x3FDB];
	_ =	sdelay $0x1  }
0x9a: {  	s5 =	simm.s32 $_scs_section_size  }
0x9b: {  	s6 =	simm.s32 $_size__tile_overlayer_lowered;
	s7 =	simm.s32 $_tile_overlayer_lowered  }
0x9c: {  	s22 =	simm.s32 $0x1BFF;
	s21 =	sshll.u32 s7, $0x1;
	s4 =	sadd.s32 s5, s19  }
0x9d: {  	s8 =	simm.s32 $0x0;
	s20 =	sshll.u32 s6, $0x1;
	s6 =	sadd.s32 s21, s4  }
0x9e: {  	[timem:s8], [sflag:s22] =	dma.local [hbm:s6], s20  }
0x9f: {  	_ =	swait.ge [sflag:s22], s20  }
0xa0: {  	s5 =	ssub.s32 $0x0, s20;
	[sflag:s22] =	ssyncset.done $0x0  }
0xa1: {  	[sflag:s22] =	ssyncadd.s32 s5;
	_ =	sdelay $0x1  }
0xa2: {  	s23 =	simm.s32 $0x1B8B  }
0xa3: {  	_ =	swait.ge [sflag:s23], $0x1  }
0xa4: {  	[sflag:s23] =	ssyncset.done $0x0  }
0xa5: {  	s25 =	simm.s32 $0x1B8E;
	s24 =	sld [smem:$0x3FFE];
	[sflag:s23] =	ssyncadd.s32 $0xFFFFFFFF  }
0xa6: {  	s26 =	simm.s32 $execute0_lowered;
	[smem:$0x3FD2] =	sst s25  }
0xa7: {  	s6 =	sshll.u32 s26, $0x1;
	_ =	strace $0x80000046;
	[dreg:$0x1] =	wrdreg $0xFFFFFFFF  }
0xa8: {  	s28 =	simm.s32 $_size_execute0_lowered;
	s4 =	sadd.s32 s4, s6;
	[dreg:$0x0] =	wrdreg $0x0  }
0xa9: {  	s6 =	sshll.u32 s28, $0x1;
	[dreg:$0x2] =	wrdreg s4  }
0xaa: {  	[dreg:$0x3] =	wrdreg s6  }
0xab: {  	[dreg:$0x4] =	wrdreg $0xC0  }
0xac: {  	_ =	task [dreg:s8], $0x5FFFF  }
0xad: {  	[dreg:$0x1] =	wrdreg $0xFFFFFFFF  }
0xae: {  	[dreg:$0x0] =	wrdreg $0x60  }
0xaf: {  	[dreg:$0x2] =	wrdreg s2  }
0xb0: {  	[dreg:$0x3] =	wrdreg s18  }
0xb1: {  	[dreg:$0x4] =	wrdreg s24  }
0xb2: {  	[dreg:$0x5] =	wrdreg $0x9  }
0xb3: {  	_ =	task.clear_ibuf [dreg:s8], $0x6FFFF;
	_ =	strace $0x90000046  }
0xb4: {  	s29 =	simm.s32 $0x9;
	_ =	strace $0x80000048  }
0xb5: {  	_ =	swait.ge [sflag:s29], $0x1  }
0xb6: {  	[sflag:s29] =	ssyncadd.s32 $0xFFFFFFFF  }
0xb7: {  	_ =	strace $0x90000048  }
0xb8: {  	_ =	sfence  }
0xb9: {  	s30 =	sld [smem:$0x0];
	_ =	sdelay $0x2  }
0xba: {  	s31 =	sshll.u32 s1, $0xD;
	s1 =	sshrl.u32 s1, $0x2  }
0xbb: {  	s3 =	sand.u32 $0x4000, s31;
	s1 =	sadd.s32 s1, s30  }
0xbc: {  	s0 =	sor.u32 s3, s0;
	s1 =	sshll.u32 s1, $0x11  }
0xbd: {  	s0 =	sor.u32 s1, s0  }
0xbe: {  	s0 =	sadd.s32 $0x8F2B, s0  }
0xbf: {  	[sflag:s0] =	ssyncadd.remote.s32 $0x1  }
0xc0: {  	_ =	sfence.sel $0xFFFF  }
0xc1: {  	[dreg:$0x0] =	wrdreg $0xFFFFFFFF;
	(pc) =	sbr.abs _section_cstart, $3  }
0xc2: {  	[dreg:$0x1] =	wrdreg $0xFFFFFFFF  }
0xc3: {  	_ =	task.clear_ibuf [dreg:s8], $0x2FFFF;
	_ =	strace $0x9FFFFFFF  }
0xc4: {  	(tm) =	ssettm $0x7FFFFFFF  }
0xc5: {  	_ =	shalt  }
tec
execute0_lowered:
.L_overlay_start_1:
0x0: {  	(tag) =	ssettag $0x1  }
0x1: {  	s0 =	rddreg [dreg:$0x0]  }
0x2: {  	s3 =	rddreg [dreg:$0x1]  }
0x3: {  	s11 =	rddreg [dreg:$0x2]  }
0x4: {  	s1 =	simm.s32 $0x0;
	s7 =	srdreg.scid;
	s8 =	stileid.u32  }
0x5: {  	s16 =	simm.s32 $0x1;
	s18 =	simm.s32 $0x4400;
	s19 =	simm.s32 $0x8400  }
0x6: {  	s20 =	simm.s32 $0xC400;
	[smem:$0x7FF] =	sst s1;
	s2 =	sadd.s32 $0x2800, s11  }
0x7: {  	s4 =	sadd.s32 $0xF44E00, s11;
	s5 =	sadd.s32 $0x10CBA00, s11;
	s9 =	sand.u32 $0x1, s7  }
0x8: {  	s6 =	sadd.s32 $0x200E000, s11;
	s10 =	sshll.u32 s8, $0xA;
	s12 =	sshll.u32 s9, $0x9  }
0x9: {  	s7 =	sadd.s32 $0x2194C00, s11;
	s13 =	ssub.s32 $0x2, s9;
	s9 =	sor.u32 s12, s10  }
0xa: {  	s8 =	sadd.s32 $0x21D4C00, s11;
	_ =	strace $0x80000047;
	s14 =	sshrl.u32 s9, $0x3  }
0xb: {  	s10 =	sadd.s32 $0x2214C00, s11;
	s29 =	sshrl.u32 s13, $0x1;
	s0 =	sadd.s32 s0, s14  }
0xc: {  	s15 =	ssub.s32 s13, s29;
	s30 =	sadd.s32 s3, s14;
	[dreg:$0x4] =	wrdreg s0  }
0xd: {  	s11 =	sadd.s32 $0x2254C00, s11;
	s31 =	smax.u32 s15, $0x1;
	[dreg:$0x5] =	wrdreg s30  }
0xe: {  	s15 =	simm.s32 $0x2;
	s3 =	simm.s32 $0x0;
	[dreg:$0x6] =	wrdreg s31  }
.LBB2_1:
0xf: {  	[dreg:$0x7] =	wrdreg s3  }
0x10: {  	s0 =	rddreg [dreg:$0x4]  }
0x11: {  	[tilespmem:s1], [sflag:$0x2] =	stream.linear.gather [hbm4b:s0+s1], $0x200, $0x38;
	[tilespmem:$0x10400] =	vst v63  }
0x12: {  	_ =	swait.ge [sflag:s15], $0x200  }
0x13: {  	[sflag:s15] =	ssyncset.done $0x0  }
0x14: {  	s22 =	simm.s32 $0x200;
	s31 =	rddreg [dreg:$0x5];
	[sflag:s15] =	ssyncadd.s32 $0xFFFFFE00  }
0x15: {  	[tilespmem:s22], [sflag:$0x2] =	stream.linear.gather [hbm4b:s31+s1], $0x200, $0x38;
	[tilespmem:$0x10400] =	vst v63  }
0x16: {  	_ =	swait.ge [sflag:s15], $0x200  }
0x17: {  	[sflag:s15] =	ssyncset.done $0x0  }
0x18: {  	s23 =	simm.s32 $0x0;
	s24 =	simm.s32 $0x0;
	[sflag:s15] =	ssyncadd.s32 $0xFFFFFE00  }
.LBB2_2:
0x19: {  	v0 =	vld [tilespmem:s22+$0x0]  }
0x1a: {  	v1 =	vld [tilespmem:s23+$0x0];
	_ =	sdelay $0x3  }
0x1b: {  	v0 =	vshll.u32 v0, $0x4  }
0x1c: {  	v1 =	vshll.u32 v1, $0x4;
	(v2sf) =	vpush v0, $0x0  }
0x1d: {  	(v2sf) =	vpush v1, $0x0;
	_ =	sdelay $0x5  }
0x1e: {  	(v2sf) =	vpush v1, $0x1;
	_ =	sdelay $0x1  }
0x1f: {  	(v2sf) =	vpush v0, $0x1;
	_ =	sdelay $0x3  }
0x20: {  	(v2sf) =	vpush v1, $0x2;
	_ =	sdelay $0x1  }
0x21: {  	s0 =	spop (v2sf)  }
0x22: {  	s25 =	simm.s32 $0x400;
	s3 =	spop (v2sf)  }
0x23: {  	s13 =	simm.s32 $0x4400;
	s14 =	simm.s32 $0x8400;
	(v2sf) =	vpush v0, $0x2;
	s3 =	sand.u32 $0x1FFFFFF0, s3  }
0x24: {  	s21 =	simm.s32 $0xC400;
	s0 =	sand.u32 $0x1FFFFFF0, s0;
	s26 =	sadd.s32 s2, s3  }
0x25: {  	[tilespmem:s25], [sflag:$0x1] =	stream.linear.gather [hbm4b:s26+s1], $0x80, $0x38;
	[tilespmem:$0x10400] =	vst v63  }
0x26: {  	s30 =	simm.s32 $0x0;
	s31 =	simm.s32 $0x8B80;
	s28 =	sadd.s32 s4, s0  }
0x27: {  	(v2sf) =	vpush v1, $0x3;
	[tilespmem:s13], [sflag:$0x1] =	stream.linear.gather [hbm4b:s28+s1], $0x80, $0x38;
	[tilespmem:$0x10400] =	vst v63  }
0x28: {  	s29 =	smov.u32 s23;
	s12 =	spop (v2sf);
	s3 =	sadd.s32 s5, s3  }
0x29: {  	[tilespmem:s14], [sflag:$0x1] =	stream.linear.gather [hbm4b:s3+s1], $0x80, $0x38;
	[tilespmem:$0x10400] =	vst v63  }
0x2a: {  	s0 =	sadd.s32 s6, s0;
	s17 =	spop (v2sf);
	s25 =	sand.u32 $0x1FFFFFF0, s12  }
0x2b: {  	(v2sf) =	vpush v0, $0x3;
	[tilespmem:s21], [sflag:$0x1] =	stream.linear.gather [hbm4b:s0+s1], $0x80, $0x38;
	[tilespmem:$0x10400] =	vst v63  }
0x2c: {  	s26 =	simm.s32 $0x480;
	s12 =	sadd.s32 s2, s25;
	s0 =	sand.u32 $0x1FFFFFF0, s17  }
0x2d: {  	[tilespmem:s26], [sflag:$0x1] =	stream.linear.gather [hbm4b:s12+s1], $0x80, $0x38;
	[tilespmem:$0x10400] =	vst v63  }
0x2e: {  	s13 =	spop (v2sf);
	s14 =	simm.s32 $0x4480;
	s28 =	sadd.s32 s4, s0  }
0x2f: {  	(v2sf) =	vpush v1, $0x4;
	[tilespmem:s14], [sflag:$0x1] =	stream.linear.gather [hbm4b:s28+s1], $0x80, $0x38;
	[tilespmem:$0x10400] =	vst v63  }
0x30: {  	s25 =	sadd.s32 s5, s25;
	s3 =	sand.u32 $0x1FFFFFF0, s13;
	s17 =	simm.s32 $0x8480  }
0x31: {  	[tilespmem:s17], [sflag:$0x1] =	stream.linear.gather [hbm4b:s25+s1], $0x80, $0x38;
	[tilespmem:$0x10400] =	vst v63  }
0x32: {  	s0 =	sadd.s32 s6, s0;
	s12 =	simm.s32 $0xC480;
	s21 =	spop (v2sf)  }
0x33: {  	(v2sf) =	vpush v0, $0x4;
	[tilespmem:s12], [sflag:$0x1] =	stream.linear.gather [hbm4b:s0+s1], $0x80, $0x38;
	[tilespmem:$0x10400] =	vst v63  }
0x34: {  	s13 =	simm.s32 $0x500;
	s14 =	sadd.s32 s2, s3;
	s0 =	sand.u32 $0x1FFFFFF0, s21  }
0x35: {  	[tilespmem:s13], [sflag:$0x1] =	stream.linear.gather [hbm4b:s14+s1], $0x80, $0x38;
	[tilespmem:$0x10400] =	vst v63  }
0x36: {  	s17 =	spop (v2sf);
	s21 =	simm.s32 $0x4500;
	s28 =	sadd.s32 s4, s0  }
0x37: {  	(v2sf) =	vpush v1, $0x5;
	[tilespmem:s21], [sflag:$0x1] =	stream.linear.gather [hbm4b:s28+s1], $0x80, $0x38;
	[tilespmem:$0x10400] =	vst v63  }
0x38: {  	s3 =	sadd.s32 s5, s3;
	s25 =	sand.u32 $0x1FFFFFF0, s17;
	s12 =	simm.s32 $0x8500  }
0x39: {  	[tilespmem:s12], [sflag:$0x1] =	stream.linear.gather [hbm4b:s3+s1], $0x80, $0x38;
	[tilespmem:$0x10400] =	vst v63  }
0x3a: {  	s0 =	sadd.s32 s6, s0;
	s13 =	spop (v2sf);
	s14 =	simm.s32 $0xC500  }
0x3b: {  	(v2sf) =	vpush v0, $0x5;
	[tilespmem:s14], [sflag:$0x1] =	stream.linear.gather [hbm4b:s0+s1], $0x80, $0x38;
	[tilespmem:$0x10400] =	vst v63  }
0x3c: {  	s17 =	simm.s32 $0x580;
	s21 =	sadd.s32 s2, s25;
	s0 =	sand.u32 $0x1FFFFFF0, s13  }
0x3d: {  	[tilespmem:s17], [sflag:$0x1] =	stream.linear.gather [hbm4b:s21+s1], $0x80, $0x38;
	[tilespmem:$0x10400] =	vst v63  }
0x3e: {  	s12 =	spop (v2sf);
	s13 =	simm.s32 $0x4580;
	s28 =	sadd.s32 s4, s0  }
0x3f: {  	(v2sf) =	vpush v1, $0x6;
	[tilespmem:s13], [sflag:$0x1] =	stream.linear.gather [hbm4b:s28+s1], $0x80, $0x38;
	[tilespmem:$0x10400] =	vst v63  }
0x40: {  	s25 =	sadd.s32 s5, s25;
	s3 =	sand.u32 $0x1FFFFFF0, s12;
	s14 =	simm.s32 $0x8580  }
0x41: {  	[tilespmem:s14], [sflag:$0x1] =	stream.linear.gather [hbm4b:s25+s1], $0x80, $0x38;
	[tilespmem:$0x10400] =	vst v63  }
0x42: {  	s0 =	sadd.s32 s6, s0;
	s21 =	simm.s32 $0xC580;
	s17 =	spop (v2sf)  }
0x43: {  	(v2sf) =	vpush v0, $0x6;
	[tilespmem:s21], [sflag:$0x1] =	stream.linear.gather [hbm4b:s0+s1], $0x80, $0x38;
	[tilespmem:$0x10400] =	vst v63  }
0x44: {  	s26 =	simm.s32 $0x600;
	s12 =	sadd.s32 s2, s3;
	s0 =	sand.u32 $0x1FFFFFF0, s17  }
0x45: {  	[tilespmem:s26], [sflag:$0x1] =	stream.linear.gather [hbm4b:s12+s1], $0x80, $0x38;
	[tilespmem:$0x10400] =	vst v63  }
0x46: {  	s13 =	spop (v2sf);
	s14 =	simm.s32 $0x4600;
	s28 =	sadd.s32 s4, s0  }
0x47: {  	(v2sf) =	vpush v1, $0x7;
	[tilespmem:s14], [sflag:$0x1] =	stream.linear.gather [hbm4b:s28+s1], $0x80, $0x38;
	[tilespmem:$0x10400] =	vst v63  }
0x48: {  	s3 =	sadd.s32 s5, s3;
	s25 =	sand.u32 $0x1FFFFFF0, s13;
	s17 =	simm.s32 $0x8600  }
0x49: {  	[tilespmem:s17], [sflag:$0x1] =	stream.linear.gather [hbm4b:s3+s1], $0x80, $0x38;
	[tilespmem:$0x10400] =	vst v63  }
0x4a: {  	s21 =	spop (v2sf);
	s0 =	sadd.s32 s6, s0;
	s12 =	simm.s32 $0xC600  }
0x4b: {  	(v2sf) =	vpush v0, $0x7;
	[tilespmem:s12], [sflag:$0x1] =	stream.linear.gather [hbm4b:s0+s1], $0x80, $0x38;
	[tilespmem:$0x10400] =	vst v63  }
0x4c: {  	s13 =	simm.s32 $0x680;
	s14 =	sadd.s32 s2, s25;
	s0 =	sand.u32 $0x1FFFFFF0, s21  }
0x4d: {  	[tilespmem:s13], [sflag:$0x1] =	stream.linear.gather [hbm4b:s14+s1], $0x80, $0x38;
	[tilespmem:$0x10400] =	vst v63  }
0x4e: {  	s17 =	spop (v2sf);
	s21 =	simm.s32 $0x4680;
	s28 =	sadd.s32 s4, s0  }
0x4f: {  	(v2sf) =	vpush v1, $0x8;
	[tilespmem:s21], [sflag:$0x1] =	stream.linear.gather [hbm4b:s28+s1], $0x80, $0x38;
	[tilespmem:$0x10400] =	vst v63  }
0x50: {  	s25 =	sadd.s32 s5, s25;
	s3 =	sand.u32 $0x1FFFFFF0, s17;
	s12 =	simm.s32 $0x8680  }
0x51: {  	[tilespmem:s12], [sflag:$0x1] =	stream.linear.gather [hbm4b:s25+s1], $0x80, $0x38;
	[tilespmem:$0x10400] =	vst v63  }
0x52: {  	s0 =	sadd.s32 s6, s0;
	s14 =	simm.s32 $0xC680;
	s13 =	spop (v2sf)  }
0x53: {  	(v2sf) =	vpush v0, $0x8;
	[tilespmem:s14], [sflag:$0x1] =	stream.linear.gather [hbm4b:s0+s1], $0x80, $0x38;
	[tilespmem:$0x10400] =	vst v63  }
0x54: {  	s17 =	simm.s32 $0x700;
	s21 =	sadd.s32 s2, s3;
	s0 =	sand.u32 $0x1FFFFFF0, s13  }
0x55: {  	[tilespmem:s17], [sflag:$0x1] =	stream.linear.gather [hbm4b:s21+s1], $0x80, $0x38;
	[tilespmem:$0x10400] =	vst v63  }
0x56: {  	s12 =	spop (v2sf);
	s13 =	simm.s32 $0x4700;
	s28 =	sadd.s32 s4, s0  }
0x57: {  	(v2sf) =	vpush v1, $0x9;
	[tilespmem:s13], [sflag:$0x1] =	stream.linear.gather [hbm4b:s28+s1], $0x80, $0x38;
	[tilespmem:$0x10400] =	vst v63  }
0x58: {  	s3 =	sadd.s32 s5, s3;
	s25 =	sand.u32 $0x1FFFFFF0, s12;
	s14 =	simm.s32 $0x8700  }
0x59: {  	[tilespmem:s14], [sflag:$0x1] =	stream.linear.gather [hbm4b:s3+s1], $0x80, $0x38;
	[tilespmem:$0x10400] =	vst v63  }
0x5a: {  	s0 =	sadd.s32 s6, s0;
	s17 =	spop (v2sf);
	s21 =	simm.s32 $0xC700  }
0x5b: {  	(v2sf) =	vpush v0, $0x9;
	[tilespmem:s21], [sflag:$0x1] =	stream.linear.gather [hbm4b:s0+s1], $0x80, $0x38;
	[tilespmem:$0x10400] =	vst v63  }
0x5c: {  	s26 =	simm.s32 $0x780;
	s12 =	sadd.s32 s2, s25;
	s0 =	sand.u32 $0x1FFFFFF0, s17  }
0x5d: {  	[tilespmem:s26], [sflag:$0x1] =	stream.linear.gather [hbm4b:s12+s1], $0x80, $0x38;
	[tilespmem:$0x10400] =	vst v63  }
0x5e: {  	s13 =	spop (v2sf);
	s14 =	simm.s32 $0x4780;
	s28 =	sadd.s32 s4, s0  }
0x5f: {  	[tilespmem:s14], [sflag:$0x1] =	stream.linear.gather [hbm4b:s28+s1], $0x80, $0x38;
	[tilespmem:$0x10400] =	vst v63  }
0x60: {  	s25 =	sadd.s32 s5, s25;
	s3 =	sand.u32 $0x1FFFFFF0, s13;
	s17 =	simm.s32 $0x8780  }
0x61: {  	(v2sf) =	vpush v1, $0xA;
	[tilespmem:s17], [sflag:$0x1] =	stream.linear.gather [hbm4b:s25+s1], $0x80, $0x38;
	[tilespmem:$0x10400] =	vst v63  }
0x62: {  	s0 =	sadd.s32 s6, s0;
	s21 =	spop (v2sf);
	s12 =	simm.s32 $0xC780  }
0x63: {  	(v2sf) =	vpush v0, $0xA;
	[tilespmem:s12], [sflag:$0x1] =	stream.linear.gather [hbm4b:s0+s1], $0x80, $0x38;
	[tilespmem:$0x10400] =	vst v63  }
0x64: {  	s13 =	simm.s32 $0x800;
	s14 =	sadd.s32 s2, s3;
	s0 =	sand.u32 $0x1FFFFFF0, s21  }
0x65: {  	[tilespmem:s13], [sflag:$0x1] =	stream.linear.gather [hbm4b:s14+s1], $0x80, $0x38;
	[tilespmem:$0x10400] =	vst v63  }
0x66: {  	s17 =	spop (v2sf);
	s21 =	simm.s32 $0x4800;
	s28 =	sadd.s32 s4, s0  }
0x67: {  	(v2sf) =	vpush v1, $0xB;
	[tilespmem:s21], [sflag:$0x1] =	stream.linear.gather [hbm4b:s28+s1], $0x80, $0x38;
	[tilespmem:$0x10400] =	vst v63  }
0x68: {  	s3 =	sadd.s32 s5, s3;
	s25 =	sand.u32 $0x1FFFFFF0, s17;
	s12 =	simm.s32 $0x8800  }
0x69: {  	[tilespmem:s12], [sflag:$0x1] =	stream.linear.gather [hbm4b:s3+s1], $0x80, $0x38;
	[tilespmem:$0x10400] =	vst v63  }
0x6a: {  	s0 =	sadd.s32 s6, s0;
	s13 =	spop (v2sf);
	s14 =	simm.s32 $0xC800  }
0x6b: {  	(v2sf) =	vpush v0, $0xB;
	[tilespmem:s14], [sflag:$0x1] =	stream.linear.gather [hbm4b:s0+s1], $0x80, $0x38;
	[tilespmem:$0x10400] =	vst v63  }
0x6c: {  	s17 =	simm.s32 $0x880;
	s21 =	sadd.s32 s2, s25;
	s3 =	sand.u32 $0x1FFFFFF0, s13  }
0x6d: {  	[tilespmem:s17], [sflag:$0x1] =	stream.linear.gather [hbm4b:s21+s1], $0x80, $0x38;
	[tilespmem:$0x10400] =	vst v63  }
0x6e: {  	s25 =	sadd.s32 s5, s25;
	s13 =	simm.s32 $0x4880;
	s28 =	sadd.s32 s4, s3  }
0x6f: {  	[tilespmem:s13], [sflag:$0x1] =	stream.linear.gather [hbm4b:s28+s1], $0x80, $0x38;
	[tilespmem:$0x10400] =	vst v63  }
0x70: {  	s12 =	spop (v2sf);
	s3 =	sadd.s32 s6, s3;
	s14 =	simm.s32 $0x8880  }
0x71: {  	(v2sf) =	vpush v1, $0xC;
	[tilespmem:s14], [sflag:$0x1] =	stream.linear.gather [hbm4b:s25+s1], $0x80, $0x38;
	[tilespmem:$0x10400] =	vst v63  }
0x72: {  	s0 =	sand.u32 $0x1FFFFFF0, s12;
	s17 =	spop (v2sf);
	s21 =	simm.s32 $0xC880  }
0x73: {  	(v2sf) =	vpush v0, $0xC;
	[tilespmem:s21], [sflag:$0x1] =	stream.linear.gather [hbm4b:s3+s1], $0x80, $0x38;
	[tilespmem:$0x10400] =	vst v63  }
0x74: {  	s26 =	simm.s32 $0x900;
	s12 =	sadd.s32 s2, s0;
	s3 =	sand.u32 $0x1FFFFFF0, s17  }
0x75: {  	[tilespmem:s26], [sflag:$0x1] =	stream.linear.gather [hbm4b:s12+s1], $0x80, $0x38;
	[tilespmem:$0x10400] =	vst v63  }
0x76: {  	s13 =	spop (v2sf);
	s14 =	simm.s32 $0x4900;
	s28 =	sadd.s32 s4, s3  }
0x77: {  	[tilespmem:s14], [sflag:$0x1] =	stream.linear.gather [hbm4b:s28+s1], $0x80, $0x38;
	[tilespmem:$0x10400] =	vst v63  }
0x78: {  	s0 =	sadd.s32 s5, s0;
	s25 =	sand.u32 $0x1FFFFFF0, s13;
	s17 =	simm.s32 $0x8900  }
0x79: {  	(v2sf) =	vpush v1, $0xD;
	[tilespmem:s17], [sflag:$0x1] =	stream.linear.gather [hbm4b:s0+s1], $0x80, $0x38;
	[tilespmem:$0x10400] =	vst v63  }
0x7a: {  	s21 =	spop (v2sf);
	s3 =	sadd.s32 s6, s3;
	s12 =	simm.s32 $0xC900  }
0x7b: {  	(v2sf) =	vpush v0, $0xD;
	[tilespmem:s12], [sflag:$0x1] =	stream.linear.gather [hbm4b:s3+s1], $0x80, $0x38;
	[tilespmem:$0x10400] =	vst v63  }
0x7c: {  	s13 =	simm.s32 $0x980;
	s14 =	sadd.s32 s2, s25;
	s0 =	sand.u32 $0x1FFFFFF0, s21  }
0x7d: {  	[tilespmem:s13], [sflag:$0x1] =	stream.linear.gather [hbm4b:s14+s1], $0x80, $0x38;
	[tilespmem:$0x10400] =	vst v63  }
0x7e: {  	s25 =	sadd.s32 s5, s25;
	s21 =	simm.s32 $0x4980;
	s28 =	sadd.s32 s4, s0  }
0x7f: {  	[tilespmem:s21], [sflag:$0x1] =	stream.linear.gather [hbm4b:s28+s1], $0x80, $0x38;
	[tilespmem:$0x10400] =	vst v63  }
0x80: {  	s17 =	spop (v2sf);
	s0 =	sadd.s32 s6, s0;
	s12 =	simm.s32 $0x8980  }
0x81: {  	(v2sf) =	vpush v1, $0xE;
	[tilespmem:s12], [sflag:$0x1] =	stream.linear.gather [hbm4b:s25+s1], $0x80, $0x38;
	[tilespmem:$0x10400] =	vst v63  }
0x82: {  	s3 =	sand.u32 $0x1FFFFFF0, s17;
	s13 =	spop (v2sf);
	s14 =	simm.s32 $0xC980  }
0x83: {  	(v2sf) =	vpush v0, $0xE;
	[tilespmem:s14], [sflag:$0x1] =	stream.linear.gather [hbm4b:s0+s1], $0x80, $0x38;
	[tilespmem:$0x10400] =	vst v63  }
0x84: {  	s17 =	simm.s32 $0xA00;
	s21 =	sadd.s32 s2, s3;
	s25 =	sand.u32 $0x1FFFFFF0, s13  }
0x85: {  	[tilespmem:s17], [sflag:$0x1] =	stream.linear.gather [hbm4b:s21+s1], $0x80, $0x38;
	[tilespmem:$0x10400] =	vst v63  }
0x86: {  	s3 =	sadd.s32 s5, s3;
	s13 =	simm.s32 $0x4A00;
	s28 =	sadd.s32 s4, s25  }
0x87: {  	[tilespmem:s13], [sflag:$0x1] =	stream.linear.gather [hbm4b:s28+s1], $0x80, $0x38;
	[tilespmem:$0x10400] =	vst v63  }
0x88: {  	s12 =	spop (v2sf);
	s25 =	sadd.s32 s6, s25;
	s14 =	simm.s32 $0x8A00  }
0x89: {  	(v2sf) =	vpush v1, $0xF;
	[tilespmem:s14], [sflag:$0x1] =	stream.linear.gather [hbm4b:s3+s1], $0x80, $0x38;
	[tilespmem:$0x10400] =	vst v63  }
0x8a: {  	s0 =	sand.u32 $0x1FFFFFF0, s12;
	s17 =	spop (v2sf);
	s21 =	simm.s32 $0xCA00  }
0x8b: {  	(v2sf) =	vpush v0, $0xF;
	[tilespmem:s21], [sflag:$0x1] =	stream.linear.gather [hbm4b:s25+s1], $0x80, $0x38;
	[tilespmem:$0x10400] =	vst v63  }
0x8c: {  	s26 =	simm.s32 $0xA80;
	s12 =	sadd.s32 s2, s0;
	s3 =	sand.u32 $0x1FFFFFF0, s17  }
0x8d: {  	[tilespmem:s26], [sflag:$0x1] =	stream.linear.gather [hbm4b:s12+s1], $0x80, $0x38;
	[tilespmem:$0x10400] =	vst v63  }
0x8e: {  	s0 =	sadd.s32 s5, s0;
	s14 =	simm.s32 $0x4A80;
	s28 =	sadd.s32 s4, s3  }
0x8f: {  	[tilespmem:s14], [sflag:$0x1] =	stream.linear.gather [hbm4b:s28+s1], $0x80, $0x38;
	[tilespmem:$0x10400] =	vst v63  }
0x90: {  	s13 =	spop (v2sf);
	s17 =	simm.s32 $0x8A80;
	s3 =	sadd.s32 s6, s3  }
0x91: {  	[tilespmem:s17], [sflag:$0x1] =	stream.linear.gather [hbm4b:s0+s1], $0x80, $0x38;
	[tilespmem:$0x10400] =	vst v63  }
0x92: {  	s25 =	sand.u32 $0x1FFFFFF0, s13;
	s21 =	spop (v2sf);
	s12 =	simm.s32 $0xCA80  }
0x93: {  	[tilespmem:s12], [sflag:$0x1] =	stream.linear.gather [hbm4b:s3+s1], $0x80, $0x38;
	[tilespmem:$0x10400] =	vst v63  }
0x94: {  	s13 =	simm.s32 $0xB00;
	s14 =	sadd.s32 s2, s25;
	s0 =	sand.u32 $0x1FFFFFF0, s21  }
0x95: {  	[tilespmem:s13], [sflag:$0x1] =	stream.linear.gather [hbm4b:s14+s1], $0x80, $0x38;
	[tilespmem:$0x10400] =	vst v63  }
0x96: {  	s25 =	sadd.s32 s5, s25;
	s21 =	simm.s32 $0x4B00;
	s28 =	sadd.s32 s4, s0  }
0x97: {  	[tilespmem:s21], [sflag:$0x1] =	stream.linear.gather [hbm4b:s28+s1], $0x80, $0x38;
	[tilespmem:$0x10400] =	vst v63  }
0x98: {  	s17 =	spop (v2sf);
	s0 =	sadd.s32 s6, s0;
	s12 =	simm.s32 $0x8B00  }
0x99: {  	[tilespmem:s12], [sflag:$0x1] =	stream.linear.gather [hbm4b:s25+s1], $0x80, $0x38;
	[tilespmem:$0x10400] =	vst v63  }
0x9a: {  	s13 =	spop (v2sf);
	s14 =	simm.s32 $0xCB00;
	s28 =	sand.u32 $0x1FFFFFF0, s17  }
0x9b: {  	[tilespmem:s14], [sflag:$0x1] =	stream.linear.gather [hbm4b:s0+s1], $0x80, $0x38;
	[tilespmem:$0x10400] =	vst v63  }
0x9c: {  	s3 =	sand.u32 $0x1FFFFFF0, s13;
	s17 =	simm.s32 $0xB80;
	s21 =	sadd.s32 s2, s28  }
0x9d: {  	[tilespmem:s17], [sflag:$0x1] =	stream.linear.gather [hbm4b:s21+s1], $0x80, $0x38;
	[tilespmem:$0x10400] =	vst v63  }
0x9e: {  	s26 =	sadd.s32 s4, s3;
	s25 =	simm.s32 $0x4B80;
	s0 =	sadd.s32 s5, s28  }
0x9f: {  	[tilespmem:s25], [sflag:$0x1] =	stream.linear.gather [hbm4b:s26+s1], $0x80, $0x38;
	[tilespmem:$0x10400] =	vst v63  }
0xa0: {  	s28 =	smov.u32 s22;
	s25 =	sshll.u32 s24, $0x7;
	s26 =	simm.s32 $0x2000  }
.LBB2_3:
0xa1: {  	p0 =	sne.s32 s26, $0xE000  }
0xa2: {  	s28 =	sadd.s32 $0x10, s28;
	s29 =	sadd.s32 $0x10, s29;
	s12 =	smov.u32 s26  }
0xa3: {  	[tilespmem:s31], [sflag:$0x1] =	stream.linear.gather [hbm4b:s0+s1], $0x80, $0x38;
	[tilespmem:$0x10400] =	vst v63  }
0xa4: {  	s26 =	sadd.s32 $0x2000, s26;
	s3 =	sadd.s32 s6, s3;
	s0 =	sadd.s32 $0xCB80, s30  }
0xa5: {  	[tilespmem:s0], [sflag:$0x1] =	stream.linear.gather [hbm4b:s3+s1], $0x80, $0x38;
	[tilespmem:$0x10400] =	vst v63  }
0xa6: {  	v0 =	vld [tilespmem:s28+$0x0]  }
0xa7: {  	v1 =	vld [tilespmem:s29+$0x0];
	_ =	sdelay $0x3  }
0xa8: {  	v0 =	vshll.u32 v0, $0x4  }
0xa9: {  	v1 =	vshll.u32 v1, $0x4;
	(v2sf) =	vpush v0, $0x0  }
0xaa: {  	(v2sf) =	vpush v1, $0x0  }
0xab: {  	(v2sf) =	vpush v1, $0x1;
	_ =	sdelay $0x2  }
0xac: {  	(v2sf) =	vpush v0, $0x1;
	_ =	sdelay $0x1  }
0xad: {  	(v2sf) =	vpush v1, $0x2;
	_ =	sdelay $0x3  }
0xae: {  	(v2sf) =	vpush v0, $0x2;
	_ =	sdelay $0x2  }
0xaf: {  	s30 =	sshra.s32 s12, $0x2  }
0xb0: {  	s31 =	sadd.s32 $0x8B80, s30;
	s0 =	spop (v2sf);
	(v2sf) =	vpush v1, $0x3  }
0xb1: {  	s3 =	sadd.s32 $0x400, s30;
	s0 =	sand.u32 $0x1FFFFFF0, s0;
	s12 =	spop (v2sf)  }
0xb2: {  	s12 =	sand.u32 $0x1FFFFFF0, s12;
	s13 =	spop (v2sf)  }
0xb3: {  	s21 =	sadd.s32 $0x4400, s30;
	s14 =	sadd.s32 s2, s12;
	s13 =	sand.u32 $0x1FFFFFF0, s13  }
0xb4: {  	[tilespmem:s3], [sflag:$0x1] =	stream.linear.gather [hbm4b:s14+s1], $0x80, $0x38;
	(v2sf) =	vpush v0, $0x3;
	[tilespmem:$0x10400] =	vst v63  }
0xb5: {  	s3 =	sadd.s32 s4, s0;
	s14 =	sadd.s32 $0x8400, s30;
	s17 =	spop (v2sf)  }
0xb6: {  	[tilespmem:s21], [sflag:$0x1] =	stream.linear.gather [hbm4b:s3+s1], $0x80, $0x38;
	[tilespmem:$0x10400] =	vst v63  }
0xb7: {  	s3 =	sadd.s32 s5, s12;
	s12 =	sand.u32 $0x1FFFFFF0, s17;
	s17 =	spop (v2sf)  }
0xb8: {  	[tilespmem:s14], [sflag:$0x1] =	stream.linear.gather [hbm4b:s3+s1], $0x80, $0x38;
	(v2sf) =	vpush v1, $0x4;
	[tilespmem:$0x10400] =	vst v63  }
0xb9: {  	s0 =	sadd.s32 s6, s0;
	s3 =	sadd.s32 $0xC400, s30;
	s14 =	sand.u32 $0x1FFFFFF0, s17  }
0xba: {  	[tilespmem:s3], [sflag:$0x1] =	stream.linear.gather [hbm4b:s0+s1], $0x80, $0x38;
	[tilespmem:$0x10400] =	vst v63  }
0xbb: {  	s0 =	sadd.s32 $0x480, s30;
	s3 =	sadd.s32 s2, s13;
	s17 =	spop (v2sf)  }
0xbc: {  	[tilespmem:s0], [sflag:$0x1] =	stream.linear.gather [hbm4b:s3+s1], $0x80, $0x38;
	(v2sf) =	vpush v0, $0x4;
	[tilespmem:$0x10400] =	vst v63  }
0xbd: {  	s0 =	sadd.s32 $0x4480, s30;
	s3 =	sadd.s32 s4, s12;
	s17 =	sand.u32 $0x1FFFFFF0, s17  }
0xbe: {  	[tilespmem:s0], [sflag:$0x1] =	stream.linear.gather [hbm4b:s3+s1], $0x80, $0x38;
	[tilespmem:$0x10400] =	vst v63  }
0xbf: {  	s0 =	sadd.s32 $0x8480, s30;
	s3 =	sadd.s32 s5, s13;
	s13 =	spop (v2sf)  }
0xc0: {  	[tilespmem:s0], [sflag:$0x1] =	stream.linear.gather [hbm4b:s3+s1], $0x80, $0x38;
	(v2sf) =	vpush v1, $0x5;
	[tilespmem:$0x10400] =	vst v63  }
0xc1: {  	s0 =	sadd.s32 $0xC480, s30;
	s3 =	sadd.s32 s6, s12;
	s12 =	sand.u32 $0x1FFFFFF0, s13  }
0xc2: {  	[tilespmem:s0], [sflag:$0x1] =	stream.linear.gather [hbm4b:s3+s1], $0x80, $0x38;
	[tilespmem:$0x10400] =	vst v63  }
0xc3: {  	s0 =	sadd.s32 $0x500, s30;
	s3 =	sadd.s32 s2, s14;
	s13 =	spop (v2sf)  }
0xc4: {  	[tilespmem:s0], [sflag:$0x1] =	stream.linear.gather [hbm4b:s3+s1], $0x80, $0x38;
	(v2sf) =	vpush v0, $0x5;
	[tilespmem:$0x10400] =	vst v63  }
0xc5: {  	s0 =	sadd.s32 $0x4500, s30;
	s3 =	sadd.s32 s4, s17;
	s13 =	sand.u32 $0x1FFFFFF0, s13  }
0xc6: {  	[tilespmem:s0], [sflag:$0x1] =	stream.linear.gather [hbm4b:s3+s1], $0x80, $0x38;
	[tilespmem:$0x10400] =	vst v63  }
0xc7: {  	s0 =	sadd.s32 $0x8500, s30;
	s3 =	sadd.s32 s5, s14;
	s14 =	spop (v2sf)  }
0xc8: {  	[tilespmem:s0], [sflag:$0x1] =	stream.linear.gather [hbm4b:s3+s1], $0x80, $0x38;
	(v2sf) =	vpush v1, $0x6;
	[tilespmem:$0x10400] =	vst v63  }
0xc9: {  	s0 =	sadd.s32 $0xC500, s30;
	s3 =	sadd.s32 s6, s17;
	s14 =	sand.u32 $0x1FFFFFF0, s14  }
0xca: {  	[tilespmem:s0], [sflag:$0x1] =	stream.linear.gather [hbm4b:s3+s1], $0x80, $0x38;
	[tilespmem:$0x10400] =	vst v63  }
0xcb: {  	s0 =	sadd.s32 $0x580, s30;
	s3 =	sadd.s32 s2, s12;
	s17 =	spop (v2sf)  }
0xcc: {  	[tilespmem:s0], [sflag:$0x1] =	stream.linear.gather [hbm4b:s3+s1], $0x80, $0x38;
	(v2sf) =	vpush v0, $0x6;
	[tilespmem:$0x10400] =	vst v63  }
0xcd: {  	s0 =	sadd.s32 $0x4580, s30;
	s3 =	sadd.s32 s4, s13;
	s17 =	sand.u32 $0x1FFFFFF0, s17  }
0xce: {  	[tilespmem:s0], [sflag:$0x1] =	stream.linear.gather [hbm4b:s3+s1], $0x80, $0x38;
	[tilespmem:$0x10400] =	vst v63  }
0xcf: {  	s0 =	sadd.s32 $0x8580, s30;
	s3 =	sadd.s32 s5, s12;
	s12 =	spop (v2sf)  }
0xd0: {  	[tilespmem:s0], [sflag:$0x1] =	stream.linear.gather [hbm4b:s3+s1], $0x80, $0x38;
	(v2sf) =	vpush v1, $0x7;
	[tilespmem:$0x10400] =	vst v63  }
0xd1: {  	s0 =	sadd.s32 $0xC580, s30;
	s3 =	sadd.s32 s6, s13;
	s12 =	sand.u32 $0x1FFFFFF0, s12  }
0xd2: {  	[tilespmem:s0], [sflag:$0x1] =	stream.linear.gather [hbm4b:s3+s1], $0x80, $0x38;
	[tilespmem:$0x10400] =	vst v63  }
0xd3: {  	s0 =	sadd.s32 $0x600, s30;
	s3 =	sadd.s32 s2, s14;
	s13 =	spop (v2sf)  }
0xd4: {  	[tilespmem:s0], [sflag:$0x1] =	stream.linear.gather [hbm4b:s3+s1], $0x80, $0x38;
	(v2sf) =	vpush v0, $0x7;
	[tilespmem:$0x10400] =	vst v63  }
0xd5: {  	s0 =	sadd.s32 $0x4600, s30;
	s3 =	sadd.s32 s4, s17;
	s13 =	sand.u32 $0x1FFFFFF0, s13  }
0xd6: {  	[tilespmem:s0], [sflag:$0x1] =	stream.linear.gather [hbm4b:s3+s1], $0x80, $0x38;
	[tilespmem:$0x10400] =	vst v63  }
0xd7: {  	s0 =	sadd.s32 $0x8600, s30;
	s3 =	sadd.s32 s5, s14;
	s14 =	spop (v2sf)  }
0xd8: {  	[tilespmem:s0], [sflag:$0x1] =	stream.linear.gather [hbm4b:s3+s1], $0x80, $0x38;
	(v2sf) =	vpush v1, $0x8;
	[tilespmem:$0x10400] =	vst v63  }
0xd9: {  	s0 =	sadd.s32 $0xC600, s30;
	s3 =	sadd.s32 s6, s17;
	s14 =	sand.u32 $0x1FFFFFF0, s14  }
0xda: {  	[tilespmem:s0], [sflag:$0x1] =	stream.linear.gather [hbm4b:s3+s1], $0x80, $0x38;
	[tilespmem:$0x10400] =	vst v63  }
0xdb: {  	s0 =	sadd.s32 $0x680, s30;
	s3 =	sadd.s32 s2, s12;
	s17 =	spop (v2sf)  }
0xdc: {  	[tilespmem:s0], [sflag:$0x1] =	stream.linear.gather [hbm4b:s3+s1], $0x80, $0x38;
	(v2sf) =	vpush v0, $0x8;
	[tilespmem:$0x10400] =	vst v63  }
0xdd: {  	s0 =	sadd.s32 $0x4680, s30;
	s3 =	sadd.s32 s4, s13;
	s17 =	sand.u32 $0x1FFFFFF0, s17  }
0xde: {  	[tilespmem:s0], [sflag:$0x1] =	stream.linear.gather [hbm4b:s3+s1], $0x80, $0x38;
	[tilespmem:$0x10400] =	vst v63  }
0xdf: {  	s0 =	sadd.s32 $0x8680, s30;
	s3 =	sadd.s32 s5, s12;
	s12 =	spop (v2sf)  }
0xe0: {  	[tilespmem:s0], [sflag:$0x1] =	stream.linear.gather [hbm4b:s3+s1], $0x80, $0x38;
	(v2sf) =	vpush v1, $0x9;
	[tilespmem:$0x10400] =	vst v63  }
0xe1: {  	s0 =	sadd.s32 $0xC680, s30;
	s3 =	sadd.s32 s6, s13;
	s12 =	sand.u32 $0x1FFFFFF0, s12  }
0xe2: {  	[tilespmem:s0], [sflag:$0x1] =	stream.linear.gather [hbm4b:s3+s1], $0x80, $0x38;
	[tilespmem:$0x10400] =	vst v63  }
0xe3: {  	s0 =	sadd.s32 $0x700, s30;
	s3 =	sadd.s32 s2, s14;
	s13 =	spop (v2sf)  }
0xe4: {  	[tilespmem:s0], [sflag:$0x1] =	stream.linear.gather [hbm4b:s3+s1], $0x80, $0x38;
	(v2sf) =	vpush v0, $0x9;
	[tilespmem:$0x10400] =	vst v63  }
0xe5: {  	s0 =	sadd.s32 $0x4700, s30;
	s3 =	sadd.s32 s4, s17;
	s13 =	sand.u32 $0x1FFFFFF0, s13  }
0xe6: {  	[tilespmem:s0], [sflag:$0x1] =	stream.linear.gather [hbm4b:s3+s1], $0x80, $0x38;
	(v2sf) =	vpush v1, $0xA;
	[tilespmem:$0x10400] =	vst v63  }
0xe7: {  	s0 =	sadd.s32 $0x8700, s30;
	s3 =	sadd.s32 s5, s14;
	s14 =	spop (v2sf)  }
0xe8: {  	[tilespmem:s0], [sflag:$0x1] =	stream.linear.gather [hbm4b:s3+s1], $0x80, $0x38;
	[tilespmem:$0x10400] =	vst v63  }
0xe9: {  	s0 =	sadd.s32 $0xC700, s30;
	s3 =	sadd.s32 s6, s17;
	s14 =	sand.u32 $0x1FFFFFF0, s14  }
0xea: {  	[tilespmem:s0], [sflag:$0x1] =	stream.linear.gather [hbm4b:s3+s1], $0x80, $0x38;
	(v2sf) =	vpush v0, $0xA;
	[tilespmem:$0x10400] =	vst v63  }
0xeb: {  	s0 =	sadd.s32 $0x780, s30;
	s3 =	sadd.s32 s2, s12;
	s17 =	spop (v2sf)  }
0xec: {  	[tilespmem:s0], [sflag:$0x1] =	stream.linear.gather [hbm4b:s3+s1], $0x80, $0x38;
	[tilespmem:$0x10400] =	vst v63  }
0xed: {  	s0 =	sadd.s32 $0x4780, s30;
	s3 =	sadd.s32 s4, s13;
	s17 =	sand.u32 $0x1FFFFFF0, s17  }
0xee: {  	[tilespmem:s0], [sflag:$0x1] =	stream.linear.gather [hbm4b:s3+s1], $0x80, $0x38;
	[tilespmem:$0x10400] =	vst v63  }
0xef: {  	s0 =	sadd.s32 $0x8780, s30;
	s3 =	sadd.s32 s5, s12;
	s12 =	spop (v2sf)  }
0xf0: {  	[tilespmem:s0], [sflag:$0x1] =	stream.linear.gather [hbm4b:s3+s1], $0x80, $0x38;
	(v2sf) =	vpush v1, $0xB;
	[tilespmem:$0x10400] =	vst v63  }
0xf1: {  	s0 =	sadd.s32 $0xC780, s30;
	s3 =	sadd.s32 s6, s13;
	s12 =	sand.u32 $0x1FFFFFF0, s12  }
0xf2: {  	[tilespmem:s0], [sflag:$0x1] =	stream.linear.gather [hbm4b:s3+s1], $0x80, $0x38;
	[tilespmem:$0x10400] =	vst v63  }
0xf3: {  	s0 =	sadd.s32 $0x800, s30;
	s3 =	sadd.s32 s2, s14;
	s13 =	spop (v2sf)  }
0xf4: {  	[tilespmem:s0], [sflag:$0x1] =	stream.linear.gather [hbm4b:s3+s1], $0x80, $0x38;
	(v2sf) =	vpush v0, $0xB;
	[tilespmem:$0x10400] =	vst v63  }
0xf5: {  	s0 =	sadd.s32 $0x4800, s30;
	s3 =	sadd.s32 s4, s17;
	s21 =	spop (v2sf)  }
0xf6: {  	[tilespmem:s0], [sflag:$0x1] =	stream.linear.gather [hbm4b:s3+s1], $0x80, $0x38;
	(v2sf) =	vpush v1, $0xC;
	[tilespmem:$0x10400] =	vst v63  }
0xf7: {  	s0 =	sadd.s32 $0x8800, s30;
	s3 =	sadd.s32 s5, s14;
	s14 =	sand.u32 $0x1FFFFFF0, s21  }
0xf8: {  	[tilespmem:s0], [sflag:$0x1] =	stream.linear.gather [hbm4b:s3+s1], $0x80, $0x38;
	[tilespmem:$0x10400] =	vst v63  }
0xf9: {  	s0 =	sadd.s32 $0xC800, s30;
	s3 =	sadd.s32 s6, s17;
	s17 =	spop (v2sf)  }
0xfa: {  	[tilespmem:s0], [sflag:$0x1] =	stream.linear.gather [hbm4b:s3+s1], $0x80, $0x38;
	(v2sf) =	vpush v0, $0xC;
	[tilespmem:$0x10400] =	vst v63  }
0xfb: {  	s13 =	sand.u32 $0x1FFFFFF0, s13;
	s0 =	sadd.s32 $0x880, s30;
	s3 =	sadd.s32 s2, s12  }
0xfc: {  	[tilespmem:s0], [sflag:$0x1] =	stream.linear.gather [hbm4b:s3+s1], $0x80, $0x38;
	[tilespmem:$0x10400] =	vst v63  }
0xfd: {  	s17 =	sand.u32 $0x1FFFFFF0, s17;
	s0 =	sadd.s32 $0x4880, s30;
	s3 =	sadd.s32 s4, s13  }
0xfe: {  	[tilespmem:s0], [sflag:$0x1] =	stream.linear.gather [hbm4b:s3+s1], $0x80, $0x38;
	(v2sf) =	vpush v1, $0xD;
	[tilespmem:$0x10400] =	vst v63  }
0xff: {  	s0 =	sadd.s32 $0x8880, s30;
	s3 =	sadd.s32 s5, s12;
	s12 =	spop (v2sf)  }
0x100: {  	[tilespmem:s0], [sflag:$0x1] =	stream.linear.gather [hbm4b:s3+s1], $0x80, $0x38;
	[tilespmem:$0x10400] =	vst v63  }
0x101: {  	s0 =	sadd.s32 $0xC880, s30;
	s3 =	sadd.s32 s6, s13;
	s12 =	sand.u32 $0x1FFFFFF0, s12  }
0x102: {  	[tilespmem:s0], [sflag:$0x1] =	stream.linear.gather [hbm4b:s3+s1], $0x80, $0x38;
	(v2sf) =	vpush v0, $0xD;
	[tilespmem:$0x10400] =	vst v63  }
0x103: {  	s0 =	sadd.s32 $0x900, s30;
	s3 =	sadd.s32 s2, s14;
	s13 =	spop (v2sf)  }
0x104: {  	[tilespmem:s0], [sflag:$0x1] =	stream.linear.gather [hbm4b:s3+s1], $0x80, $0x38;
	[tilespmem:$0x10400] =	vst v63  }
0x105: {  	s0 =	sadd.s32 $0x4900, s30;
	s3 =	sadd.s32 s4, s17;
	s21 =	spop (v2sf)  }
0x106: {  	[tilespmem:s0], [sflag:$0x1] =	stream.linear.gather [hbm4b:s3+s1], $0x80, $0x38;
	[tilespmem:$0x10400] =	vst v63  }
0x107: {  	s0 =	sadd.s32 $0x8900, s30;
	s3 =	sadd.s32 s5, s14;
	s14 =	sand.u32 $0x1FFFFFF0, s21  }
0x108: {  	[tilespmem:s0], [sflag:$0x1] =	stream.linear.gather [hbm4b:s3+s1], $0x80, $0x38;
	(v2sf) =	vpush v1, $0xE;
	[tilespmem:$0x10400] =	vst v63  }
0x109: {  	s0 =	sadd.s32 $0xC900, s30;
	s3 =	sadd.s32 s6, s17;
	s17 =	spop (v2sf)  }
0x10a: {  	[tilespmem:s0], [sflag:$0x1] =	stream.linear.gather [hbm4b:s3+s1], $0x80, $0x38;
	[tilespmem:$0x10400] =	vst v63  }
0x10b: {  	s13 =	sand.u32 $0x1FFFFFF0, s13;
	s0 =	sadd.s32 $0x980, s30;
	s3 =	sadd.s32 s2, s12  }
0x10c: {  	[tilespmem:s0], [sflag:$0x1] =	stream.linear.gather [hbm4b:s3+s1], $0x80, $0x38;
	(v2sf) =	vpush v0, $0xE;
	[tilespmem:$0x10400] =	vst v63  }
0x10d: {  	s0 =	sadd.s32 $0x4980, s30;
	s3 =	sadd.s32 s4, s13;
	s21 =	spop (v2sf)  }
0x10e: {  	[tilespmem:s0], [sflag:$0x1] =	stream.linear.gather [hbm4b:s3+s1], $0x80, $0x38;
	[tilespmem:$0x10400] =	vst v63  }
0x10f: {  	s0 =	sadd.s32 $0x8980, s30;
	s3 =	sadd.s32 s5, s12;
	s12 =	sand.u32 $0x1FFFFFF0, s21  }
0x110: {  	[tilespmem:s0], [sflag:$0x1] =	stream.linear.gather [hbm4b:s3+s1], $0x80, $0x38;
	(v2sf) =	vpush v1, $0xF;
	[tilespmem:$0x10400] =	vst v63  }
0x111: {  	s0 =	sadd.s32 $0xC980, s30;
	s3 =	sadd.s32 s6, s13;
	s13 =	spop (v2sf)  }
0x112: {  	[tilespmem:s0], [sflag:$0x1] =	stream.linear.gather [hbm4b:s3+s1], $0x80, $0x38;
	[tilespmem:$0x10400] =	vst v63  }
0x113: {  	s17 =	sand.u32 $0x1FFFFFF0, s17;
	s0 =	sadd.s32 $0xA00, s30;
	s3 =	sadd.s32 s2, s14  }
0x114: {  	[tilespmem:s0], [sflag:$0x1] =	stream.linear.gather [hbm4b:s3+s1], $0x80, $0x38;
	(v2sf) =	vpush v0, $0xF;
	[tilespmem:$0x10400] =	vst v63  }
0x115: {  	s13 =	sand.u32 $0x1FFFFFF0, s13;
	s0 =	sadd.s32 $0x4A00, s30;
	s3 =	sadd.s32 s4, s17  }
0x116: {  	[tilespmem:s0], [sflag:$0x1] =	stream.linear.gather [hbm4b:s3+s1], $0x80, $0x38;
	[tilespmem:$0x10400] =	vst v63  }
0x117: {  	s0 =	sadd.s32 $0x8A00, s30;
	s3 =	sadd.s32 s5, s14;
	s14 =	spop (v2sf)  }
0x118: {  	[tilespmem:s0], [sflag:$0x1] =	stream.linear.gather [hbm4b:s3+s1], $0x80, $0x38;
	[tilespmem:$0x10400] =	vst v63  }
0x119: {  	s0 =	sadd.s32 $0xCA00, s30;
	s3 =	sadd.s32 s6, s17;
	s14 =	sand.u32 $0x1FFFFFF0, s14  }
0x11a: {  	[tilespmem:s0], [sflag:$0x1] =	stream.linear.gather [hbm4b:s3+s1], $0x80, $0x38;
	[tilespmem:$0x10400] =	vst v63  }
0x11b: {  	s0 =	sadd.s32 $0xA80, s30;
	s3 =	sadd.s32 s2, s12;
	s17 =	spop (v2sf)  }
0x11c: {  	[tilespmem:s0], [sflag:$0x1] =	stream.linear.gather [hbm4b:s3+s1], $0x80, $0x38;
	[tilespmem:$0x10400] =	vst v63  }
0x11d: {  	s0 =	sadd.s32 $0x4A80, s30;
	s3 =	sadd.s32 s4, s13;
	s17 =	sand.u32 $0x1FFFFFF0, s17  }
0x11e: {  	[tilespmem:s0], [sflag:$0x1] =	stream.linear.gather [hbm4b:s3+s1], $0x80, $0x38;
	[tilespmem:$0x10400] =	vst v63  }
0x11f: {  	s0 =	sadd.s32 $0x8A80, s30;
	s3 =	sadd.s32 s5, s12;
	s12 =	spop (v2sf)  }
0x120: {  	[tilespmem:s0], [sflag:$0x1] =	stream.linear.gather [hbm4b:s3+s1], $0x80, $0x38;
	[tilespmem:$0x10400] =	vst v63  }
0x121: {  	s0 =	sadd.s32 $0xCA80, s30;
	s3 =	sadd.s32 s6, s13;
	s12 =	sand.u32 $0x1FFFFFF0, s12  }
0x122: {  	[tilespmem:s0], [sflag:$0x1] =	stream.linear.gather [hbm4b:s3+s1], $0x80, $0x38;
	[tilespmem:$0x10400] =	vst v63  }
0x123: {  	s0 =	sadd.s32 $0xB00, s30;
	s3 =	sadd.s32 s2, s14;
	s13 =	spop (v2sf)  }
0x124: {  	[tilespmem:s0], [sflag:$0x1] =	stream.linear.gather [hbm4b:s3+s1], $0x80, $0x38;
	[tilespmem:$0x10400] =	vst v63  }
0x125: {  	s21 =	sadd.s32 s4, s17;
	s3 =	sadd.s32 $0x4B00, s30;
	s0 =	sadd.s32 s5, s12  }
0x126: {  	[tilespmem:s3], [sflag:$0x1] =	stream.linear.gather [hbm4b:s21+s1], $0x80, $0x38;
	[tilespmem:$0x10400] =	vst v63  }
0x127: {  	s14 =	sadd.s32 s5, s14;
	s3 =	sadd.s32 $0x8B00, s30  }
0x128: {  	[tilespmem:s3], [sflag:$0x1] =	stream.linear.gather [hbm4b:s14+s1], $0x80, $0x38;
	[tilespmem:$0x10400] =	vst v63  }
0x129: {  	s3 =	sadd.s32 $0xCB00, s30;
	s14 =	sadd.s32 s6, s17  }
0x12a: {  	[tilespmem:s3], [sflag:$0x1] =	stream.linear.gather [hbm4b:s14+s1], $0x80, $0x38;
	[tilespmem:$0x10400] =	vst v63  }
.Ltmp0:
0x12b: {  	_ = 	snop;
	(pc) =	sbr.rel @p0 .LBB2_3-.Ltmp0, $4  }
0x12c: {  	s12 =	sadd.s32 s2, s12;
	s14 =	sadd.s32 $0xB80, s30;
	s3 =	sand.u32 $0x1FFFFFF0, s13  }
0x12d: {  	[tilespmem:s14], [sflag:$0x1] =	stream.linear.gather [hbm4b:s12+s1], $0x80, $0x38;
	[tilespmem:$0x10400] =	vst v63  }
0x12e: {  	s13 =	sadd.s32 s4, s3;
	s12 =	sadd.s32 $0x4B80, s30  }
0x12f: {  	[tilespmem:s12], [sflag:$0x1] =	stream.linear.gather [hbm4b:s13+s1], $0x80, $0x38;
	[tilespmem:$0x10400] =	vst v63  }
0x130: {  	[tilespmem:s31], [sflag:$0x1] =	stream.linear.gather [hbm4b:s0+s1], $0x80, $0x38;
	[tilespmem:$0x10400] =	vst v63  }
0x131: {  	s26 =	sadd.s32 $0xCB80, s30;
	s3 =	sadd.s32 s6, s3  }
0x132: {  	[tilespmem:s26], [sflag:$0x1] =	stream.linear.gather [hbm4b:s3+s1], $0x80, $0x38;
	[tilespmem:$0x10400] =	vst v63  }
0x133: {  	_ =	swait.ge [sflag:s16], $0x4000  }
0x134: {  	[sflag:s16] =	ssyncset.done $0x0  }
0x135: {  	[sflag:s16] =	ssyncadd.s32 $0xFFFFC000  }
0x136: {  	_ =	swait.ge [sflag:s16], $0x4000  }
0x137: {  	[sflag:s16] =	ssyncset.done $0x0  }
0x138: {  	[sflag:s16] =	ssyncadd.s32 $0xFFFFC000  }
0x139: {  	_ =	swait.ge [sflag:s16], $0x4000  }
0x13a: {  	[sflag:s16] =	ssyncset.done $0x0  }
0x13b: {  	[sflag:s16] =	ssyncadd.s32 $0xFFFFC000  }
0x13c: {  	s28 =	sor.u32 s9, s25;
	_ =	swait.ge [sflag:s16], $0x4000  }
0x13d: {  	s0 =	sshll.u32 s28, $0x4;
	[sflag:s16] =	ssyncset.done $0x0  }
0x13e: {  	s12 =	simm.s32 $0x400;
	s29 =	sadd.s32 s7, s0;
	[sflag:s16] =	ssyncadd.s32 $0xFFFFC000  }
0x13f: {  	[hbm4b:s29+s1] =	stream.linear.scatter [tilespmem:s12], [sflag:$0x2], $0x4000, $0x38;
	[tilespmem:$0x10400] =	vst v63  }
0x140: {  	_ =	swait.ge [sflag:s15], $0x4000  }
0x141: {  	[sflag:s15] =	ssyncset.done $0x0  }
0x142: {  	s30 =	sadd.s32 s8, s0;
	[sflag:s15] =	ssyncadd.s32 $0xFFFFC000  }
0x143: {  	[hbm4b:s30+s1] =	stream.linear.scatter [tilespmem:s18], [sflag:$0x2], $0x4000, $0x38;
	[tilespmem:$0x10400] =	vst v63  }
0x144: {  	_ =	swait.ge [sflag:s15], $0x4000  }
0x145: {  	[sflag:s15] =	ssyncset.done $0x0  }
0x146: {  	s31 =	sadd.s32 s10, s0;
	[sflag:s15] =	ssyncadd.s32 $0xFFFFC000  }
0x147: {  	[hbm4b:s31+s1] =	stream.linear.scatter [tilespmem:s19], [sflag:$0x2], $0x4000, $0x38;
	[tilespmem:$0x10400] =	vst v63  }
0x148: {  	s24 =	sadd.s32 $0x1, s24;
	_ =	swait.ge [sflag:s15], $0x4000  }
0x149: {  	p0 =	sne.s32 s24, $0x4;
	[sflag:s15] =	ssyncset.done $0x0  }
.Ltmp1:
0x14a: {  	s0 =	sadd.s32 s11, s0;
	[sflag:s15] =	ssyncadd.s32 $0xFFFFC000;
	(pc) =	sbr.rel @p0 .LBB2_2-.Ltmp1, $4  }
0x14b: {  	[hbm4b:s0+s1] =	stream.linear.scatter [tilespmem:s20], [sflag:$0x2], $0x4000, $0x38;
	[tilespmem:$0x10400] =	vst v63  }
0x14c: {  	_ =	swait.ge [sflag:s15], $0x4000  }
0x14d: {  	[sflag:s15] =	ssyncset.done $0x0  }
0x14e: {  	s22 =	sadd.s32 $0x80, s22;
	s23 =	sadd.s32 $0x80, s23;
	[sflag:s15] =	ssyncadd.s32 $0xFFFFC000  }
0x14f: {  	s3 =	rddreg [dreg:$0x7]  }
0x150: {  	s0 =	rddreg [dreg:$0x6];
	s3 =	sadd.s32 $0x1, s3  }
0x151: {  	p0 =	sne.s32 s3, s0  }
.Ltmp2:
0x152: {  	_ = 	snop;
	(pc) =	sbr.rel @p0 .LBB2_1-.Ltmp2, $1  }
0x153: {  	_ =	sdelay $0x3  }
0x154: {  	_ =	sfence.sel $0x180000  }
0x155: {  	[bflag:$0x0] =	sbarrier.arrive $0xFFFF  }
0x156: {  	_ =	strace $0x90000047  }
0x157: {  	s0 =	stileid.u32;
	[bflag:$0x2] =	sbarrier.arrive $0xFFFF  }
0x158: {  	p0 =	sne.s32 s0, $0x0;
	s0 =	rddreg [dreg:$0x3]  }
0x159: {  	s0 =	sadd.s32 @!p0 $0x100000, s0  }
0x15a: {  	[sflag:s0] =	ssyncadd.tile.s32 @!p0 $0x1;
	_ =	shalt  }
.Lfunc_end2:
_tile_overlayer_lowered:
.L_overlay_start_2:
0x15b: {  	(tag) =	ssettag $0x2  }
0x15c: {  	s0 =	rddreg [dreg:$0x0];
	s2 =	stileid.u32  }
0x15d: {  	s1 =	rddreg [dreg:$0x1];
	p0 =	sne.s32 s2, $0x0  }
0x15e: {  	s3 =	rddreg [dreg:$0x2];
	[bflag:$0x3] =	sbarrier.arrive $0xFFFF;
	s2 =	simm.s32 @!p0 $0x1C02  }
0x15f: {  	[timem:s3], [sflag:s2] =	dma.local @!p0 [hbm:s0], s1  }
0x160: {  	s0 =	simm.s32 @!p0 $0x2  }
0x161: {  	_ =	swait.ge @!p0 [sflag:s0], s1  }
0x162: {  	s1 =	ssub.s32 @!p0 $0x0, s1;
	[sflag:s0] =	ssyncset.done @!p0 $0x0  }
0x163: {  	[sflag:s0] =	ssyncadd.s32 @!p0 s1  }
0x164: {  	[bflag:$0x3] =	sbarrier.arrive $0xFFFF  }
0x165: {  	_ =	shalt  }

</sc_bundles>
